<compile_context>
chip_gen: v7x
topology: tpu7x:2x2x1
jax: 0.10.2.dev20260603
libtpu: 0.0.44.dev20260713+nightly
codegen_flags: <defaults>
</compile_context>

<pallas_src>
import functools

import jax
import jax.numpy as jnp
import numpy as np
from jax import lax
from jax.experimental import pallas as pl
from jax.experimental.pallas import tpu as pltpu
from jax.experimental.pallas import tpu_sc as plsc
from jax.experimental.layout import Format, Layout, with_layout_constraint

_B, _L, _H = 1024, 200, 64
_N = _B * _L
_GW = 128
_BS = 16
_R = _BS * _L
_NT = 16
_EPS = 1e-12
_NW = 32
_PW = _N // _NW
_NROW = _PW // _L
_NWIN = _PW // _GW

_KM = np.zeros((2, _H), dtype=np.int32)
for _j in range(_H):
    if _j < 16:
        _KM[0, _j], _KM[1, _j] = _j << 9, 0xF << 9
    elif _j < 32:
        _KM[0, _j], _KM[1, _j] = (_j - 16) << 5, 0xF << 5
    elif _j < 48:
        _KM[0, _j], _KM[1, _j] = (_j - 32) << 1, 0xF << 1
    elif _j == 48:
        _KM[0, _j], _KM[1, _j] = 1, 1
    else:
        _KM[0, _j], _KM[1, _j] = 1 << 30, -1


def _sc_gather(table, qid, tid, did, dcid):
    mesh = plsc.VectorSubcoreMesh(core_axis_name="core", subcore_axis_name="subcore")

    @functools.partial(
        pl.kernel,
        out_type=jax.ShapeDtypeStruct((_N, 128), jnp.float32),
        mesh=mesh,
        compiler_params=pltpu.CompilerParams(use_tc_tiling_on_sc=False,
                                             needs_layout_passes=False),
        scratch_types=[
            pltpu.VMEM((_PW,), jnp.int32),
            pltpu.VMEM((_PW,), jnp.int32),
            pltpu.VMEM((_PW,), jnp.int32),
            pltpu.VMEM((_PW,), jnp.int32),
            pltpu.VMEM((_PW,), jnp.float32),
            pltpu.VMEM((_GW, _H), jnp.float32),
            pltpu.VMEM((_GW, _H), jnp.float32),
            pltpu.VMEM((_GW, 16), jnp.float32),
            pltpu.VMEM((_GW, 16), jnp.float32),
            pltpu.SemaphoreType.DMA,
            pltpu.SemaphoreType.DMA,
            pltpu.SemaphoreType.DMA,
            pltpu.SemaphoreType.DMA,
            pltpu.SemaphoreType.DMA,
            pltpu.SemaphoreType.DMA,
            pltpu.SemaphoreType.DMA,
        ],
    )
    def gather_kernel(table_hbm, qid_hbm, tid_hbm, did_hbm, dcid_hbm, out_hbm,
                      qbuf, tbuf, dbuf, cbuf, pbuf, rbuf0, rbuf1, pcol0, pcol1,
                      isem, gsem0, gsem1, wsem0, wsem1, psem0, psem1):
        wid = lax.axis_index("subcore") * 2 + lax.axis_index("core")
        base = wid * _PW
        row0 = wid * _NROW

        srcs = (qid_hbm, tid_hbm, did_hbm, dcid_hbm)
        dsts = (qbuf, tbuf, dbuf, cbuf)

        @pl.loop(0, _NROW)
        def _(r):
            off = pl.multiple_of(r * _L, 8)
            for s, d in zip(srcs, dsts):
                pltpu.async_copy(s.at[row0 + r, :], d.at[pl.ds(off, _L)], isem)

        @pl.loop(0, _NROW)
        def _(r):
            off = pl.multiple_of(r * _L, 8)
            for s, d in zip(srcs, dsts):
                pltpu.make_async_copy(s.at[row0 + r, :], d.at[pl.ds(off, _L)],
                                      isem).wait()

        @pl.loop(0, _PW // 16)
        def _(i):
            off = pl.multiple_of(i * 16, 8)
            sl = pl.ds(off, 16)
            qv = qbuf[sl]
            pv = ((tbuf[sl] << 9) | (dbuf[sl] << 5) | (cbuf[sl] << 1)
                  | jnp.where(qv == 0, 1, 0))
            pbuf[sl] = plsc.bitcast(pv, jnp.float32)
            qbuf[sl] = (((qv >> 12) << 12) | ((qv & 0x7FF) << 1)
                        | ((qv >> 11) & 1))

        rbufs = (rbuf0, rbuf1)
        pcols = (pcol0, pcol1)
        gsems = (gsem0, gsem1)
        wsems = (wsem0, wsem1)
        psems = (psem0, psem1)
        zer16 = jnp.zeros((16,), jnp.int32)
        lane16 = lax.broadcasted_iota(jnp.int32, (16,), 0)

        @pl.loop(0, _NWIN, step=2)
        def _(g):
            for k in (0, 1):
                gg = g + k
                woff = pl.multiple_of(gg * _GW, 8)
                r0 = base + gg * _GW

                @pl.when(gg >= 2)
                def _():
                    pltpu.make_async_copy(
                        rbufs[k],
                        out_hbm.at[pl.ds(r0 - 2 * _GW, _GW), pl.ds(0, _H)],
                        wsems[k],
                    ).wait()
                    pltpu.make_async_copy(
                        pcols[k],
                        out_hbm.at[pl.ds(r0 - 2 * _GW, _GW), pl.ds(_H, 16)],
                        psems[k],
                    ).wait()

                pltpu.async_copy(
                    table_hbm.at[qbuf.at[pl.ds(woff, _GW)]], rbufs[k], gsems[k])

                for j in range(_GW // 16):
                    poff = pl.multiple_of(gg * _GW + j * 16, 8)
                    pv = pbuf[pl.ds(poff, 16)]
                    plsc.store_scatter(pcols[k], [lane16 + j * 16, zer16], pv)

                pltpu.make_async_copy(
                    table_hbm.at[qbuf.at[pl.ds(woff, _GW)]], rbufs[k],
                    gsems[k]).wait()
                pltpu.async_copy(
                    rbufs[k],
                    out_hbm.at[pl.ds(r0, _GW), pl.ds(0, _H)], wsems[k])
                pltpu.async_copy(
                    pcols[k],
                    out_hbm.at[pl.ds(r0, _GW), pl.ds(_H, 16)], psems[k])

        for k in (0, 1):
            gg = _NWIN - 2 + k
            r0 = base + gg * _GW
            pltpu.make_async_copy(
                rbufs[k],
                out_hbm.at[pl.ds(r0, _GW), pl.ds(0, _H)], wsems[k]).wait()
            pltpu.make_async_copy(
                pcols[k],
                out_hbm.at[pl.ds(r0, _GW), pl.ds(_H, 16)], psems[k]).wait()

    return gather_kernel(table, qid, tid, did, dcid)


_WB = 2048


def _repack_body(in_ref, o_ref):
    x = in_ref[...]
    o_ref[...] = jnp.concatenate([x[:, :_WB].T, x[:, _WB:].T], axis=1)


def _wq_repack(Wq):
    nq = Wq.shape[0]
    grid = (nq + 2 * _WB - 1) // (2 * _WB)
    return pl.pallas_call(
        _repack_body,
        grid=(grid,),
        in_specs=[pl.BlockSpec((_H, 2 * _WB), lambda j: (0, j))],
        out_specs=pl.BlockSpec((_WB, 128), lambda j: (j, 0)),
        out_shape=jax.ShapeDtypeStruct((grid * _WB, 128), jnp.float32),
    )(Wq.T)


def _tc_body(q_ref, rel_ref, wsm_ref, wpos_ref, km_ref, gamma_ref, beta_ref,
             o_ref):
    rel = rel_ref[...].reshape(_R, _H)
    qblk = q_ref[...].reshape(_R, 128)
    pid = lax.bitcast_convert_type(qblk[:, _H:_H + 1], jnp.int32)
    kk = km_ref[0:1, :]
    mm = km_ref[1:2, :]
    oh = ((pid ^ kk) & mm) == 0
    smallm = jnp.dot(oh.astype(jnp.bfloat16), wsm_ref[...],
                     preferred_element_type=jnp.float32)
    small = smallm[:, :_H]
    m = smallm[:, _H:]
    x = qblk[:, :_H] + small + wpos_ref[...] + rel * (1.0 - m)
    s1 = jnp.sum(x, axis=-1, keepdims=True)
    s2 = jnp.sum(x * x, axis=-1, keepdims=True)
    mu = s1 * (1.0 / _H)
    var = s2 * (1.0 / _H) - mu * mu
    y = (x - mu) * lax.rsqrt(var + _EPS)
    o_ref[...] = (y * gamma_ref[...] + beta_ref[...]).reshape(_BS, _L, _H)


def kernel(question_ids, type_ids, difficulty_ids, discriminate_ids,
           question_rel_embeds, Wq, Wt, Wd, Wdisc, Wpos, ln_gamma, ln_beta):
    seq_len = question_ids.shape[1]
    idx_dtype = jnp.int64 if question_ids.dtype == jnp.int64 else jnp.int32
    position_ids = jnp.arange(seq_len, dtype=idx_dtype)[None, :]

    Wq_lin = _wq_repack(Wq).reshape(-1, _H)
    qrows = _sc_gather(Wq_lin,
                       question_ids.astype(jnp.int32),
                       type_ids.astype(jnp.int32),
                       difficulty_ids.astype(jnp.int32),
                       discriminate_ids.astype(jnp.int32))

    wsm = jnp.zeros((_H, 2 * _H), dtype=jnp.bfloat16)
    wsm = wsm.at[0:_NT, :_H].set(Wt.astype(jnp.bfloat16))
    wsm = wsm.at[_NT:_NT + Wd.shape[0], :_H].set(Wd.astype(jnp.bfloat16))
    wsm = wsm.at[2 * _NT:2 * _NT + Wdisc.shape[0], :_H].set(Wdisc.astype(jnp.bfloat16))
    wsm = wsm.at[48, _H:].set(jnp.ones((_H,), jnp.bfloat16))

    wpos_t = jnp.tile(Wpos[:seq_len], (_BS, 1))
    km = jnp.asarray(_KM)
    gamma2 = ln_gamma.reshape(1, _H)
    beta2 = ln_beta.reshape(1, _H)

    x = pl.pallas_call(
        _tc_body,
        grid=(_B // _BS,),
        in_specs=[
            pl.BlockSpec((_R // 128, 128, 128), lambda i: (i, 0, 0)),
            pl.BlockSpec((_BS, _L, _H), lambda i: (i, 0, 0)),
            pl.BlockSpec((_H, 2 * _H), lambda i: (0, 0)),
            pl.BlockSpec((_R, _H), lambda i: (0, 0)),
            pl.BlockSpec((2, _H), lambda i: (0, 0)),
            pl.BlockSpec((1, _H), lambda i: (0, 0)),
            pl.BlockSpec((1, _H), lambda i: (0, 0)),
        ],
        out_specs=pl.BlockSpec((_BS, _L, _H), lambda i: (i, 0, 0)),
        out_shape=jax.ShapeDtypeStruct((_B, _L, _H), jnp.float32),
    )(qrows.reshape(_N // 128, 128, 128), question_rel_embeds, wsm, wpos_t, km,
      gamma2, beta2)

    return (x, position_ids)

# --- scband reference (transcript-rebuilt; emitter-appended) ---
"""Pipeline reference for scband-pickt-question-embedding-3745211482560 (READ-ONLY COPY).

The authoritative reference and input builder live on the scoring server;
editing this copy changes nothing except your own understanding.
"""

import jax, jax.numpy as jnp
import numpy as np

B, L, H = 1024, 200, 64
NQ, NT, ND, NDISC, MAXPOS = 1000000, 16, 10, 10, 512
EPS = 1e-12
PAD_ID = 0


def setup_inputs(seed: int = 0) -> dict:
    key = jax.random.key(seed)
    ks = jax.random.split(key, 11)
    question_ids = jax.random.randint(ks[0], (B, L), 0, NQ)
    type_ids = jax.random.randint(ks[1], (B, L), 0, NT)
    difficulty_ids = jax.random.randint(ks[2], (B, L), 0, ND)
    discriminate_ids = jax.random.randint(ks[3], (B, L), 0, NDISC)
    question_rel_embeds = jax.random.normal(ks[4], (B, L, H), dtype=jnp.float32)
    Wq = jax.random.normal(ks[5], (NQ, H), dtype=jnp.float32) * 0.02
    Wq = Wq.at[PAD_ID].set(0.0)
    Wt = jax.random.normal(ks[6], (NT, H), dtype=jnp.float32) * 0.02
    Wt = Wt.at[PAD_ID].set(0.0)
    Wd = jax.random.normal(ks[7], (ND, H), dtype=jnp.float32) * 0.02
    Wd = Wd.at[PAD_ID].set(0.0)
    Wdisc = jax.random.normal(ks[8], (NDISC, H), dtype=jnp.float32) * 0.02
    Wdisc = Wdisc.at[PAD_ID].set(0.0)
    Wpos = jax.random.normal(ks[9], (MAXPOS, H), dtype=jnp.float32) * 0.02
    ln_gamma = jnp.ones((H,), dtype=jnp.float32)
    ln_beta = jnp.zeros((H,), dtype=jnp.float32)
    return {
        'question_ids': question_ids,
        'type_ids': type_ids,
        'difficulty_ids': difficulty_ids,
        'discriminate_ids': discriminate_ids,
        'question_rel_embeds': question_rel_embeds,
        'Wq': Wq, 'Wt': Wt, 'Wd': Wd, 'Wdisc': Wdisc, 'Wpos': Wpos,
        'ln_gamma': ln_gamma, 'ln_beta': ln_beta,
    }


def _layer_norm(x, gamma, beta):
    mu = jnp.mean(x, axis=-1, keepdims=True)
    var = jnp.mean(jnp.square(x - mu), axis=-1, keepdims=True)
    return (x - mu) / jnp.sqrt(var + EPS) * gamma + beta


def reference(question_ids, type_ids, difficulty_ids, discriminate_ids,
              question_rel_embeds, Wq, Wt, Wd, Wdisc, Wpos, ln_gamma, ln_beta):
    seq_len = question_ids.shape[1]
    position_ids = jnp.arange(seq_len, dtype=jnp.int64 if question_ids.dtype == jnp.int64 else jnp.int32)[None, :]
    question_embeds = jnp.take(Wq, question_ids, axis=0)
    type_embeds = jnp.take(Wt, type_ids, axis=0)
    difficulty_embeds = jnp.take(Wd, difficulty_ids, axis=0)
    discriminate_embeds = jnp.take(Wdisc, discriminate_ids, axis=0)
    position_embeddings = jnp.take(Wpos, position_ids, axis=0)
    mask = (question_ids == PAD_ID)
    rel = jnp.where(mask[..., None], 0.0, question_rel_embeds)
    x = (question_embeds + type_embeds + difficulty_embeds + discriminate_embeds
         + rel + position_embeddings)
    x = _layer_norm(x, ln_gamma, ln_beta)
    # dropout is identity in eval mode
    return (x, position_ids)

if __name__ == "__main__":
    import jax
    _d = setup_inputs()
    print(jax.jit(kernel)(*tuple(_d.values())))

</pallas_src>

<mosaic_0001>
#map = affine_map<(d0, d1) -> (0, 0)>
module attributes {stable_mosaic.version = 14 : i64} {
  func.func @gather_kernel(%arg0: i32, %arg1: i32, %arg2: memref<1003520x64xf32, #tpu.memory_space<hbm>>, %arg3: memref<1024x200xi32, #tpu.memory_space<hbm>>, %arg4: memref<1024x200xi32, #tpu.memory_space<hbm>>, %arg5: memref<1024x200xi32, #tpu.memory_space<hbm>>, %arg6: memref<1024x200xi32, #tpu.memory_space<hbm>>, %arg7: memref<204800x128xf32, #tpu.memory_space<hbm>>, %arg8: memref<6400xi32, #tpu.memory_space<vmem>>, %arg9: memref<6400xi32, #tpu.memory_space<vmem>>, %arg10: memref<6400xi32, #tpu.memory_space<vmem>>, %arg11: memref<6400xi32, #tpu.memory_space<vmem>>, %arg12: memref<6400xf32, #tpu.memory_space<vmem>>, %arg13: memref<128x64xf32, #tpu.memory_space<vmem>>, %arg14: memref<128x64xf32, #tpu.memory_space<vmem>>, %arg15: memref<128x16xf32, #tpu.memory_space<vmem>>, %arg16: memref<128x16xf32, #tpu.memory_space<vmem>>, %arg17: memref<!tpu.dma_semaphore, #tpu.memory_space<semaphore_mem>>, %arg18: memref<!tpu.dma_semaphore, #tpu.memory_space<semaphore_mem>>, %arg19: memref<!tpu.dma_semaphore, #tpu.memory_space<semaphore_mem>>, %arg20: memref<!tpu.dma_semaphore, #tpu.memory_space<semaphore_mem>>, %arg21: memref<!tpu.dma_semaphore, #tpu.memory_space<semaphore_mem>>, %arg22: memref<!tpu.dma_semaphore, #tpu.memory_space<semaphore_mem>>, %arg23: memref<!tpu.dma_semaphore, #tpu.memory_space<semaphore_mem>>) attributes {dimension_semantics = [#tpu.dimension_semantics<core_parallel>, #tpu.dimension_semantics<subcore_parallel>], iteration_bounds = array<i64: 2, 16>, scalar_prefetch = 0 : i64, scratch_operands = 16 : i64, tpu.core_type = #tpu.core_type<sc_vector_subcore>, window_params = [{transform_indices = #map}, {transform_indices = #map}, {transform_indices = #map}, {transform_indices = #map}, {transform_indices = #map}, {transform_indices = #map}]} {
    %mul3A = arith.constant 2 : i32
    %mul3A_0 = arith.muli %arg1, %mul3A : i32
    %add3A = arith.addi %mul3A_0, %arg0 : i32
    %mul3A_1 = arith.constant 6400 : i32
    %mul3A_2 = arith.muli %add3A, %mul3A_1 : i32
    %mul3A_3 = arith.constant 32 : i32
    %mul3A_4 = arith.muli %add3A, %mul3A_3 : i32
    %scan3A = arith.constant 0 : i32
    %scan3A_5 = arith.constant 32 : i32
    %scan3A_6 = arith.addi %scan3A, %scan3A_5 : i32
    %scan3A_7 = arith.constant 1 : i32
    scf.for %scan3A_44 = %scan3A to %scan3A_6 step %scan3A_7  : i32 {
      %mul3A_45 = arith.constant 1 : i32
      %mul3A_46 = arith.muli %scan3A_44, %mul3A_45 : i32
      %add3A_47 = arith.constant 0 : i32
      %add3A_48 = arith.addi %add3A_47, %mul3A_46 : i32
      %mul3A_49 = arith.constant 200 : i32
      %mul3A_50 = arith.muli %add3A_48, %mul3A_49 : i32
      %multiple_of3A = tpu.assume_multiple %mul3A_50, 8 : i32
      %add3A_51 = arith.addi %mul3A_4, %add3A_48 : i32
      %dma_start3A = tpu.memref_slice %arg8[%multiple_of3A] : memref<6400xi32, #tpu.memory_space<vmem>> -> memref<200xi32, #tpu.memory_space<vmem>>
      %dma_start3A_52 = arith.constant 0 : i32
      %dma_start3A_53 = tpu.memref_slice %arg3[%add3A_51, %dma_start3A_52] : memref<1024x200xi32, #tpu.memory_space<hbm>> -> memref<1x200xi32, #tpu.memory_space<hbm>>
      %dma_start3A_54 = tpu.memref_squeeze %dma_start3A_53 : memref<1x200xi32, #tpu.memory_space<hbm>> -> memref<200xi32, #tpu.memory_space<hbm>>
      %dma_start3A_55 = tpu.memref_slice %arg8[%multiple_of3A] : memref<6400xi32, #tpu.memory_space<vmem>> -> memref<200xi32, #tpu.memory_space<vmem>>
      %dma_start3A_56 = arith.constant 0 : i32
      %dma_start3A_57 = tpu.memref_slice %arg3[%add3A_51, %dma_start3A_56] : memref<1024x200xi32, #tpu.memory_space<hbm>> -> memref<1x200xi32, #tpu.memory_space<hbm>>
      %dma_start3A_58 = tpu.memref_squeeze %dma_start3A_57 : memref<1x200xi32, #tpu.memory_space<hbm>> -> memref<200xi32, #tpu.memory_space<hbm>>
      tpu.enqueue_dma source(%dma_start3A_58 : memref<200xi32, #tpu.memory_space<hbm>>) target(%dma_start3A_55 : memref<200xi32, #tpu.memory_space<vmem>>) target_semaphore(%arg17 : memref<!tpu.dma_semaphore, #tpu.memory_space<semaphore_mem>>)
      %add3A_59 = arith.addi %mul3A_4, %add3A_48 : i32
      %dma_start3A_60 = tpu.memref_slice %arg9[%multiple_of3A] : memref<6400xi32, #tpu.memory_space<vmem>> -> memref<200xi32, #tpu.memory_space<vmem>>
      %dma_start3A_61 = arith.constant 0 : i32
      %dma_start3A_62 = tpu.memref_slice %arg4[%add3A_59, %dma_start3A_61] : memref<1024x200xi32, #tpu.memory_space<hbm>> -> memref<1x200xi32, #tpu.memory_space<hbm>>
      %dma_start3A_63 = tpu.memref_squeeze %dma_start3A_62 : memref<1x200xi32, #tpu.memory_space<hbm>> -> memref<200xi32, #tpu.memory_space<hbm>>
      %dma_start3A_64 = tpu.memref_slice %arg9[%multiple_of3A] : memref<6400xi32, #tpu.memory_space<vmem>> -> memref<200xi32, #tpu.memory_space<vmem>>
      %dma_start3A_65 = arith.constant 0 : i32
      %dma_start3A_66 = tpu.memref_slice %arg4[%add3A_59, %dma_start3A_65] : memref<1024x200xi32, #tpu.memory_space<hbm>> -> memref<1x200xi32, #tpu.memory_space<hbm>>
      %dma_start3A_67 = tpu.memref_squeeze %dma_start3A_66 : memref<1x200xi32, #tpu.memory_space<hbm>> -> memref<200xi32, #tpu.memory_space<hbm>>
      tpu.enqueue_dma source(%dma_start3A_67 : memref<200xi32, #tpu.memory_space<hbm>>) target(%dma_start3A_64 : memref<200xi32, #tpu.memory_space<vmem>>) target_semaphore(%arg17 : memref<!tpu.dma_semaphore, #tpu.memory_space<semaphore_mem>>)
      %add3A_68 = arith.addi %mul3A_4, %add3A_48 : i32
      %dma_start3A_69 = tpu.memref_slice %arg10[%multiple_of3A] : memref<6400xi32, #tpu.memory_space<vmem>> -> memref<200xi32, #tpu.memory_space<vmem>>
      %dma_start3A_70 = arith.constant 0 : i32
      %dma_start3A_71 = tpu.memref_slice %arg5[%add3A_68, %dma_start3A_70] : memref<1024x200xi32, #tpu.memory_space<hbm>> -> memref<1x200xi32, #tpu.memory_space<hbm>>
      %dma_start3A_72 = tpu.memref_squeeze %dma_start3A_71 : memref<1x200xi32, #tpu.memory_space<hbm>> -> memref<200xi32, #tpu.memory_space<hbm>>
      %dma_start3A_73 = tpu.memref_slice %arg10[%multiple_of3A] : memref<6400xi32, #tpu.memory_space<vmem>> -> memref<200xi32, #tpu.memory_space<vmem>>
      %dma_start3A_74 = arith.constant 0 : i32
      %dma_start3A_75 = tpu.memref_slice %arg5[%add3A_68, %dma_start3A_74] : memref<1024x200xi32, #tpu.memory_space<hbm>> -> memref<1x200xi32, #tpu.memory_space<hbm>>
      %dma_start3A_76 = tpu.memref_squeeze %dma_start3A_75 : memref<1x200xi32, #tpu.memory_space<hbm>> -> memref<200xi32, #tpu.memory_space<hbm>>
      tpu.enqueue_dma source(%dma_start3A_76 : memref<200xi32, #tpu.memory_space<hbm>>) target(%dma_start3A_73 : memref<200xi32, #tpu.memory_space<vmem>>) target_semaphore(%arg17 : memref<!tpu.dma_semaphore, #tpu.memory_space<semaphore_mem>>)
      %add3A_77 = arith.addi %mul3A_4, %add3A_48 : i32
      %dma_start3A_78 = tpu.memref_slice %arg11[%multiple_of3A] : memref<6400xi32, #tpu.memory_space<vmem>> -> memref<200xi32, #tpu.memory_space<vmem>>
      %dma_start3A_79 = arith.constant 0 : i32
      %dma_start3A_80 = tpu.memref_slice %arg6[%add3A_77, %dma_start3A_79] : memref<1024x200xi32, #tpu.memory_space<hbm>> -> memref<1x200xi32, #tpu.memory_space<hbm>>
      %dma_start3A_81 = tpu.memref_squeeze %dma_start3A_80 : memref<1x200xi32, #tpu.memory_space<hbm>> -> memref<200xi32, #tpu.memory_space<hbm>>
      %dma_start3A_82 = tpu.memref_slice %arg11[%multiple_of3A] : memref<6400xi32, #tpu.memory_space<vmem>> -> memref<200xi32, #tpu.memory_space<vmem>>
      %dma_start3A_83 = arith.constant 0 : i32
      %dma_start3A_84 = tpu.memref_slice %arg6[%add3A_77, %dma_start3A_83] : memref<1024x200xi32, #tpu.memory_space<hbm>> -> memref<1x200xi32, #tpu.memory_space<hbm>>
      %dma_start3A_85 = tpu.memref_squeeze %dma_start3A_84 : memref<1x200xi32, #tpu.memory_space<hbm>> -> memref<200xi32, #tpu.memory_space<hbm>>
      tpu.enqueue_dma source(%dma_start3A_85 : memref<200xi32, #tpu.memory_space<hbm>>) target(%dma_start3A_82 : memref<200xi32, #tpu.memory_space<vmem>>) target_semaphore(%arg17 : memref<!tpu.dma_semaphore, #tpu.memory_space<semaphore_mem>>)
    }
    %scan3A_8 = arith.constant 32 : i32
    %scan3A_9 = arith.constant 0 : i32
    %scan3A_10 = arith.constant 32 : i32
    %scan3A_11 = arith.addi %scan3A_9, %scan3A_10 : i32
    %scan3A_12 = arith.constant 1 : i32
    scf.for %scan3A_44 = %scan3A_9 to %scan3A_11 step %scan3A_12  : i32 {
      %mul3A_45 = arith.constant 1 : i32
      %mul3A_46 = arith.muli %scan3A_44, %mul3A_45 : i32
      %add3A_47 = arith.constant 0 : i32
      %add3A_48 = arith.addi %add3A_47, %mul3A_46 : i32
      %mul3A_49 = arith.constant 200 : i32
      %mul3A_50 = arith.muli %add3A_48, %mul3A_49 : i32
      %multiple_of3A = tpu.assume_multiple %mul3A_50, 8 : i32
      %add3A_51 = arith.addi %mul3A_4, %add3A_48 : i32
      %dma_wait3A_52 = tpu.memref_slice %arg8[%multiple_of3A] : memref<6400xi32, #tpu.memory_space<vmem>> -> memref<200xi32, #tpu.memory_space<vmem>>
      %dma_wait3A_53 = arith.constant 0 : i32
      %dma_wait3A_54 = tpu.memref_slice %arg3[%add3A_51, %dma_wait3A_53] : memref<1024x200xi32, #tpu.memory_space<hbm>> -> memref<1x200xi32, #tpu.memory_space<hbm>>
      %dma_wait3A_55 = tpu.memref_squeeze %dma_wait3A_54 : memref<1x200xi32, #tpu.memory_space<hbm>> -> memref<200xi32, #tpu.memory_space<hbm>>
      %dma_wait3A_56 = tpu.memref_slice %arg8[%multiple_of3A] : memref<6400xi32, #tpu.memory_space<vmem>> -> memref<200xi32, #tpu.memory_space<vmem>>
      %dma_wait3A_57 = arith.constant 0 : i32
      %dma_wait3A_58 = tpu.memref_slice %arg3[%add3A_51, %dma_wait3A_57] : memref<1024x200xi32, #tpu.memory_space<hbm>> -> memref<1x200xi32, #tpu.memory_space<hbm>>
      %dma_wait3A_59 = tpu.memref_squeeze %dma_wait3A_58 : memref<1x200xi32, #tpu.memory_space<hbm>> -> memref<200xi32, #tpu.memory_space<hbm>>
      tpu.wait_dma2 semaphore(%arg17 : memref<!tpu.dma_semaphore, #tpu.memory_space<semaphore_mem>>) src(%dma_wait3A_59 : memref<200xi32, #tpu.memory_space<hbm>>) dst(%dma_wait3A_56 : memref<200xi32, #tpu.memory_space<vmem>>)
      %add3A_60 = arith.addi %mul3A_4, %add3A_48 : i32
      %dma_wait3A_61 = tpu.memref_slice %arg9[%multiple_of3A] : memref<6400xi32, #tpu.memory_space<vmem>> -> memref<200xi32, #tpu.memory_space<vmem>>
      %dma_wait3A_62 = arith.constant 0 : i32
      %dma_wait3A_63 = tpu.memref_slice %arg4[%add3A_60, %dma_wait3A_62] : memref<1024x200xi32, #tpu.memory_space<hbm>> -> memref<1x200xi32, #tpu.memory_space<hbm>>
      %dma_wait3A_64 = tpu.memref_squeeze %dma_wait3A_63 : memref<1x200xi32, #tpu.memory_space<hbm>> -> memref<200xi32, #tpu.memory_space<hbm>>
      %dma_wait3A_65 = tpu.memref_slice %arg9[%multiple_of3A] : memref<6400xi32, #tpu.memory_space<vmem>> -> memref<200xi32, #tpu.memory_space<vmem>>
      %dma_wait3A_66 = arith.constant 0 : i32
      %dma_wait3A_67 = tpu.memref_slice %arg4[%add3A_60, %dma_wait3A_66] : memref<1024x200xi32, #tpu.memory_space<hbm>> -> memref<1x200xi32, #tpu.memory_space<hbm>>
      %dma_wait3A_68 = tpu.memref_squeeze %dma_wait3A_67 : memref<1x200xi32, #tpu.memory_space<hbm>> -> memref<200xi32, #tpu.memory_space<hbm>>
      tpu.wait_dma2 semaphore(%arg17 : memref<!tpu.dma_semaphore, #tpu.memory_space<semaphore_mem>>) src(%dma_wait3A_68 : memref<200xi32, #tpu.memory_space<hbm>>) dst(%dma_wait3A_65 : memref<200xi32, #tpu.memory_space<vmem>>)
      %add3A_69 = arith.addi %mul3A_4, %add3A_48 : i32
      %dma_wait3A_70 = tpu.memref_slice %arg10[%multiple_of3A] : memref<6400xi32, #tpu.memory_space<vmem>> -> memref<200xi32, #tpu.memory_space<vmem>>
      %dma_wait3A_71 = arith.constant 0 : i32
      %dma_wait3A_72 = tpu.memref_slice %arg5[%add3A_69, %dma_wait3A_71] : memref<1024x200xi32, #tpu.memory_space<hbm>> -> memref<1x200xi32, #tpu.memory_space<hbm>>
      %dma_wait3A_73 = tpu.memref_squeeze %dma_wait3A_72 : memref<1x200xi32, #tpu.memory_space<hbm>> -> memref<200xi32, #tpu.memory_space<hbm>>
      %dma_wait3A_74 = tpu.memref_slice %arg10[%multiple_of3A] : memref<6400xi32, #tpu.memory_space<vmem>> -> memref<200xi32, #tpu.memory_space<vmem>>
      %dma_wait3A_75 = arith.constant 0 : i32
      %dma_wait3A_76 = tpu.memref_slice %arg5[%add3A_69, %dma_wait3A_75] : memref<1024x200xi32, #tpu.memory_space<hbm>> -> memref<1x200xi32, #tpu.memory_space<hbm>>
      %dma_wait3A_77 = tpu.memref_squeeze %dma_wait3A_76 : memref<1x200xi32, #tpu.memory_space<hbm>> -> memref<200xi32, #tpu.memory_space<hbm>>
      tpu.wait_dma2 semaphore(%arg17 : memref<!tpu.dma_semaphore, #tpu.memory_space<semaphore_mem>>) src(%dma_wait3A_77 : memref<200xi32, #tpu.memory_space<hbm>>) dst(%dma_wait3A_74 : memref<200xi32, #tpu.memory_space<vmem>>)
      %add3A_78 = arith.addi %mul3A_4, %add3A_48 : i32
      %dma_wait3A_79 = tpu.memref_slice %arg11[%multiple_of3A] : memref<6400xi32, #tpu.memory_space<vmem>> -> memref<200xi32, #tpu.memory_space<vmem>>
      %dma_wait3A_80 = arith.constant 0 : i32
      %dma_wait3A_81 = tpu.memref_slice %arg6[%add3A_78, %dma_wait3A_80] : memref<1024x200xi32, #tpu.memory_space<hbm>> -> memref<1x200xi32, #tpu.memory_space<hbm>>
      %dma_wait3A_82 = tpu.memref_squeeze %dma_wait3A_81 : memref<1x200xi32, #tpu.memory_space<hbm>> -> memref<200xi32, #tpu.memory_space<hbm>>
      %dma_wait3A_83 = tpu.memref_slice %arg11[%multiple_of3A] : memref<6400xi32, #tpu.memory_space<vmem>> -> memref<200xi32, #tpu.memory_space<vmem>>
      %dma_wait3A_84 = arith.constant 0 : i32
      %dma_wait3A_85 = tpu.memref_slice %arg6[%add3A_78, %dma_wait3A_84] : memref<1024x200xi32, #tpu.memory_space<hbm>> -> memref<1x200xi32, #tpu.memory_space<hbm>>
      %dma_wait3A_86 = tpu.memref_squeeze %dma_wait3A_85 : memref<1x200xi32, #tpu.memory_space<hbm>> -> memref<200xi32, #tpu.memory_space<hbm>>
      tpu.wait_dma2 semaphore(%arg17 : memref<!tpu.dma_semaphore, #tpu.memory_space<semaphore_mem>>) src(%dma_wait3A_86 : memref<200xi32, #tpu.memory_space<hbm>>) dst(%dma_wait3A_83 : memref<200xi32, #tpu.memory_space<vmem>>)
    }
    %scan3A_13 = arith.constant 32 : i32
    %scan3A_14 = arith.constant 0 : i32
    %scan3A_15 = arith.constant 400 : i32
    %scan3A_16 = arith.addi %scan3A_14, %scan3A_15 : i32
    %scan3A_17 = arith.constant 1 : i32
    scf.for %scan3A_44 = %scan3A_14 to %scan3A_16 step %scan3A_17  : i32 {
      %mul3A_45 = arith.constant 1 : i32
      %mul3A_46 = arith.muli %scan3A_44, %mul3A_45 : i32
      %add3A_47 = arith.constant 0 : i32
      %add3A_48 = arith.addi %add3A_47, %mul3A_46 : i32
      %mul3A_49 = arith.constant 16 : i32
      %mul3A_50 = arith.muli %add3A_48, %mul3A_49 : i32
      %multiple_of3A = tpu.assume_multiple %mul3A_50, 8 : i32
      %get3A = arith.index_cast %multiple_of3A : i32 to index
      %get3A_51 = tpu.vector_load %arg8[%get3A] {strides = array<i32>} : memref<6400xi32, #tpu.memory_space<vmem>>, vector<16xi32>,
      %get3A_52 = arith.index_cast %multiple_of3A : i32 to index
      %get3A_53 = tpu.vector_load %arg9[%get3A_52] {strides = array<i32>} : memref<6400xi32, #tpu.memory_space<vmem>>, vector<16xi32>,
      %shift_left3A = arith.constant 9 : i32
      %shift_left3A_54 = vector.broadcast %shift_left3A : i32 to vector<16xi32>
      %shift_left3A_55 = arith.shli %get3A_53, %shift_left3A_54 : vector<16xi32>
      %get3A_56 = arith.index_cast %multiple_of3A : i32 to index
      %get3A_57 = tpu.vector_load %arg10[%get3A_56] {strides = array<i32>} : memref<6400xi32, #tpu.memory_space<vmem>>, vector<16xi32>,
      %shift_left3A_58 = arith.constant 5 : i32
      %shift_left3A_59 = vector.broadcast %shift_left3A_58 : i32 to vector<16xi32>
      %shift_left3A_60 = arith.shli %get3A_57, %shift_left3A_59 : vector<16xi32>
      %or3A = arith.ori %shift_left3A_55, %shift_left3A_60 : vector<16xi32>
      %get3A_61 = arith.index_cast %multiple_of3A : i32 to index
      %get3A_62 = tpu.vector_load %arg11[%get3A_61] {strides = array<i32>} : memref<6400xi32, #tpu.memory_space<vmem>>, vector<16xi32>,
      %shift_left3A_63 = arith.constant 1 : i32
      %shift_left3A_64 = vector.broadcast %shift_left3A_63 : i32 to vector<16xi32>
      %shift_left3A_65 = arith.shli %get3A_62, %shift_left3A_64 : vector<16xi32>
      %or3A_66 = arith.ori %or3A, %shift_left3A_65 : vector<16xi32>
      %eq3A = arith.constant 0 : i32
      %eq3A_67 = vector.broadcast %eq3A : i32 to vector<16xi32>
      %eq3A_68 = arith.cmpi eq, %get3A_51, %eq3A_67 : vector<16xi32>
      %jit3A = arith.constant 1 : i32
      %jit3A_69 = arith.constant 0 : i32
      %broadcast_in_dim3A_70 = vector.broadcast %jit3A : i32 to vector<16xi32>
      %broadcast_in_dim3A_71 = vector.broadcast %jit3A_69 : i32 to vector<16xi32>
      %select_n3A = arith.select %eq3A_68, %broadcast_in_dim3A_70, %broadcast_in_dim3A_71 : vector<16xi1>, vector<16xi32>
      %or3A_72 = arith.ori %or3A_66, %select_n3A : vector<16xi32>
      %bitcast3A = vector.bitcast %or3A_72 : vector<16xi32> to vector<16xf32>
      %swap3A = arith.index_cast %multiple_of3A : i32 to index
      %swap3A_73 = tpu.vector_load %arg12[%swap3A] {strides = array<i32>} : memref<6400xf32, #tpu.memory_space<vmem>>, vector<16xf32>,
      tpu.vector_store %arg12[%swap3A], %bitcast3A {strides = array<i32>} : memref<6400xf32, #tpu.memory_space<vmem>>, vector<16xf32>,
      %shift_right_arithmetic3A = arith.constant 12 : i32
      %shift_right_arithmetic3A_74 = vector.broadcast %shift_right_arithmetic3A : i32 to vector<16xi32>
      %shift_right_arithmetic3A_75 = arith.shrsi %get3A_51, %shift_right_arithmetic3A_74 : vector<16xi32>
      %shift_left3A_76 = arith.constant 12 : i32
      %shift_left3A_77 = vector.broadcast %shift_left3A_76 : i32 to vector<16xi32>
      %shift_left3A_78 = arith.shli %shift_right_arithmetic3A_75, %shift_left3A_77 : vector<16xi32>
      %and3A = arith.constant 2047 : i32
      %and3A_79 = vector.broadcast %and3A : i32 to vector<16xi32>
      %and3A_80 = arith.andi %get3A_51, %and3A_79 : vector<16xi32>
      %shift_left3A_81 = arith.constant 1 : i32
      %shift_left3A_82 = vector.broadcast %shift_left3A_81 : i32 to vector<16xi32>
      %shift_left3A_83 = arith.shli %and3A_80, %shift_left3A_82 : vector<16xi32>
      %or3A_84 = arith.ori %shift_left3A_78, %shift_left3A_83 : vector<16xi32>
      %shift_right_arithmetic3A_85 = arith.constant 11 : i32
      %shift_right_arithmetic3A_86 = vector.broadcast %shift_right_arithmetic3A_85 : i32 to vector<16xi32>
      %shift_right_arithmetic3A_87 = arith.shrsi %get3A_51, %shift_right_arithmetic3A_86 : vector<16xi32>
      %and3A_88 = arith.constant 1 : i32
      %and3A_89 = vector.broadcast %and3A_88 : i32 to vector<16xi32>
      %and3A_90 = arith.andi %shift_right_arithmetic3A_87, %and3A_89 : vector<16xi32>
      %or3A_91 = arith.ori %or3A_84, %and3A_90 : vector<16xi32>
      %swap3A_92 = arith.index_cast %multiple_of3A : i32 to index
      %swap3A_93 = tpu.vector_load %arg8[%swap3A_92] {strides = array<i32>} : memref<6400xi32, #tpu.memory_space<vmem>>, vector<16xi32>,
      tpu.vector_store %arg8[%swap3A_92], %or3A_91 {strides = array<i32>} : memref<6400xi32, #tpu.memory_space<vmem>>, vector<16xi32>,
    }
    %scan3A_18 = arith.constant 400 : i32
    %broadcast_in_dim3A = arith.constant 0 : i32
    %broadcast_in_dim3A_19 = vector.broadcast %broadcast_in_dim3A : i32 to vector<16xi32>
    %iota3A = tpu.iota {dimensions = array<i32: 0>} : vector<16xi32>
    %scan3A_20 = arith.constant 0 : i32
    %scan3A_21 = arith.constant 25 : i32
    %scan3A_22 = arith.addi %scan3A_20, %scan3A_21 : i32
    %scan3A_23 = arith.constant 1 : i32
    scf.for %scan3A_44 = %scan3A_20 to %scan3A_22 step %scan3A_23  : i32 {
      %mul3A_45 = arith.constant 2 : i32
      %mul3A_46 = arith.muli %scan3A_44, %mul3A_45 : i32
      %add3A_47 = arith.constant 0 : i32
      %add3A_48 = arith.addi %add3A_47, %mul3A_46 : i32
      %add3A_49 = arith.constant 0 : i32
      %add3A_50 = arith.addi %add3A_48, %add3A_49 : i32
      %mul3A_51 = arith.constant 128 : i32
      %mul3A_52 = arith.muli %add3A_50, %mul3A_51 : i32
      %multiple_of3A = tpu.assume_multiple %mul3A_52, 8 : i32
      %mul3A_53 = arith.constant 128 : i32
      %mul3A_54 = arith.muli %add3A_50, %mul3A_53 : i32
      %add3A_55 = arith.addi %mul3A_2, %mul3A_54 : i32
      %ge3A = arith.constant 2 : i32
      %ge3A_56 = arith.cmpi sge, %add3A_50, %ge3A : i32
      %convert_element_type3A = arith.extui %ge3A_56 : i1 to i32
      %cond3A = arith.constant 0 : i32
      %cond3A_57 = arith.cmpi ne, %convert_element_type3A, %cond3A : i32
      scf.if %cond3A_57 {
        %sub3A = arith.constant 256 : i32
        %sub3A_261 = arith.subi %add3A_55, %sub3A : i32
        %dma_wait3A_262 = arith.constant 0 : i32
        %dma_wait3A_263 = tpu.memref_slice %arg7[%sub3A_261, %dma_wait3A_262] : memref<204800x128xf32, #tpu.memory_space<hbm>> -> memref<128x64xf32, #tpu.memory_space<hbm>>
        %dma_wait3A_264 = arith.constant 0 : i32
        %dma_wait3A_265 = tpu.memref_slice %arg7[%sub3A_261, %dma_wait3A_264] : memref<204800x128xf32, #tpu.memory_space<hbm>> -> memref<128x64xf32, #tpu.memory_space<hbm>>
        tpu.wait_dma2 semaphore(%arg20 : memref<!tpu.dma_semaphore, #tpu.memory_space<semaphore_mem>>) src(%arg13 : memref<128x64xf32, #tpu.memory_space<vmem>>) dst(%dma_wait3A_265 : memref<128x64xf32, #tpu.memory_space<hbm>>)
        %sub3A_266 = arith.constant 256 : i32
        %sub3A_267 = arith.subi %add3A_55, %sub3A_266 : i32
        %dma_wait3A_268 = arith.constant 64 : i32
        %dma_wait3A_269 = tpu.memref_slice %arg7[%sub3A_267, %dma_wait3A_268] : memref<204800x128xf32, #tpu.memory_space<hbm>> -> memref<128x16xf32, #tpu.memory_space<hbm>>
        %dma_wait3A_270 = arith.constant 64 : i32
        %dma_wait3A_271 = tpu.memref_slice %arg7[%sub3A_267, %dma_wait3A_270] : memref<204800x128xf32, #tpu.memory_space<hbm>> -> memref<128x16xf32, #tpu.memory_space<hbm>>
        tpu.wait_dma2 semaphore(%arg22 : memref<!tpu.dma_semaphore, #tpu.memory_space<semaphore_mem>>) src(%arg15 : memref<128x16xf32, #tpu.memory_space<vmem>>) dst(%dma_wait3A_271 : memref<128x16xf32, #tpu.memory_space<hbm>>)
      } else {
      }
      %dma_start3A = tpu.memref_slice %arg8[%multiple_of3A] : memref<6400xi32, #tpu.memory_space<vmem>> -> memref<128xi32, #tpu.memory_space<vmem>>
      %dma_start3A_58 = arith.constant 0 : i32
      %dma_start3A_59 = arith.constant 0 : i32
      %dma_start3A_60 = tpu.memref_slice %arg2[%dma_start3A_58, %dma_start3A_59] : memref<1003520x64xf32, #tpu.memory_space<hbm>> -> memref<1003520x64xf32, #tpu.memory_space<hbm>>
      tpu.enqueue_indirect_dma source(%dma_start3A_60 : memref<1003520x64xf32, #tpu.memory_space<hbm>>) target(%arg13 : memref<128x64xf32, #tpu.memory_space<vmem>>) offsets(%dma_start3A : memref<128xi32, #tpu.memory_space<vmem>>) semaphore(%arg18 : memref<!tpu.dma_semaphore, #tpu.memory_space<semaphore_mem>>)
      %mul3A_61 = arith.constant 128 : i32
      %mul3A_62 = arith.muli %add3A_50, %mul3A_61 : i32
      %add3A_63 = arith.constant 0 : i32
      %add3A_64 = arith.addi %mul3A_62, %add3A_63 : i32
      %multiple_of3A_65 = tpu.assume_multiple %add3A_64, 8 : i32
      %get3A = arith.index_cast %multiple_of3A_65 : i32 to index
      %get3A_66 = tpu.vector_load %arg12[%get3A] {strides = array<i32>} : memref<6400xf32, #tpu.memory_space<vmem>>, vector<16xf32>,
      %add3A_67 = arith.constant 0 : i32
      %add3A_68 = vector.broadcast %add3A_67 : i32 to vector<16xi32>
      %add3A_69 = arith.addi %iota3A, %add3A_68 : vector<16xi32>
      tpu.vector_store_idx %arg15[%add3A_69, %broadcast_in_dim3A_19], %get3A_66 : memref<128x16xf32, #tpu.memory_space<vmem>>[vector<16xi32>, vector<16xi32>], vector<16xf32>,
      %mul3A_70 = arith.constant 128 : i32
      %mul3A_71 = arith.muli %add3A_50, %mul3A_70 : i32
      %add3A_72 = arith.constant 16 : i32
      %add3A_73 = arith.addi %mul3A_71, %add3A_72 : i32
      %multiple_of3A_74 = tpu.assume_multiple %add3A_73, 8 : i32
      %get3A_75 = arith.index_cast %multiple_of3A_74 : i32 to index
      %get3A_76 = tpu.vector_load %arg12[%get3A_75] {strides = array<i32>} : memref<6400xf32, #tpu.memory_space<vmem>>, vector<16xf32>,
      %add3A_77 = arith.constant 16 : i32
      %add3A_78 = vector.broadcast %add3A_77 : i32 to vector<16xi32>
      %add3A_79 = arith.addi %iota3A, %add3A_78 : vector<16xi32>
      tpu.vector_store_idx %arg15[%add3A_79, %broadcast_in_dim3A_19], %get3A_76 : memref<128x16xf32, #tpu.memory_space<vmem>>[vector<16xi32>, vector<16xi32>], vector<16xf32>,
      %mul3A_80 = arith.constant 128 : i32
      %mul3A_81 = arith.muli %add3A_50, %mul3A_80 : i32
      %add3A_82 = arith.constant 32 : i32
      %add3A_83 = arith.addi %mul3A_81, %add3A_82 : i32
      %multiple_of3A_84 = tpu.assume_multiple %add3A_83, 8 : i32
      %get3A_85 = arith.index_cast %multiple_of3A_84 : i32 to index
      %get3A_86 = tpu.vector_load %arg12[%get3A_85] {strides = array<i32>} : memref<6400xf32, #tpu.memory_space<vmem>>, vector<16xf32>,
      %add3A_87 = arith.constant 32 : i32
      %add3A_88 = vector.broadcast %add3A_87 : i32 to vector<16xi32>
      %add3A_89 = arith.addi %iota3A, %add3A_88 : vector<16xi32>
      tpu.vector_store_idx %arg15[%add3A_89, %broadcast_in_dim3A_19], %get3A_86 : memref<128x16xf32, #tpu.memory_space<vmem>>[vector<16xi32>, vector<16xi32>], vector<16xf32>,
      %mul3A_90 = arith.constant 128 : i32
      %mul3A_91 = arith.muli %add3A_50, %mul3A_90 : i32
      %add3A_92 = arith.constant 48 : i32
      %add3A_93 = arith.addi %mul3A_91, %add3A_92 : i32
      %multiple_of3A_94 = tpu.assume_multiple %add3A_93, 8 : i32
      %get3A_95 = arith.index_cast %multiple_of3A_94 : i32 to index
      %get3A_96 = tpu.vector_load %arg12[%get3A_95] {strides = array<i32>} : memref<6400xf32, #tpu.memory_space<vmem>>, vector<16xf32>,
      %add3A_97 = arith.constant 48 : i32
      %add3A_98 = vector.broadcast %add3A_97 : i32 to vector<16xi32>
      %add3A_99 = arith.addi %iota3A, %add3A_98 : vector<16xi32>
      tpu.vector_store_idx %arg15[%add3A_99, %broadcast_in_dim3A_19], %get3A_96 : memref<128x16xf32, #tpu.memory_space<vmem>>[vector<16xi32>, vector<16xi32>], vector<16xf32>,
      %mul3A_100 = arith.constant 128 : i32
      %mul3A_101 = arith.muli %add3A_50, %mul3A_100 : i32
      %add3A_102 = arith.constant 64 : i32
      %add3A_103 = arith.addi %mul3A_101, %add3A_102 : i32
      %multiple_of3A_104 = tpu.assume_multiple %add3A_103, 8 : i32
      %get3A_105 = arith.index_cast %multiple_of3A_104 : i32 to index
      %get3A_106 = tpu.vector_load %arg12[%get3A_105] {strides = array<i32>} : memref<6400xf32, #tpu.memory_space<vmem>>, vector<16xf32>,
      %add3A_107 = arith.constant 64 : i32
      %add3A_108 = vector.broadcast %add3A_107 : i32 to vector<16xi32>
      %add3A_109 = arith.addi %iota3A, %add3A_108 : vector<16xi32>
      tpu.vector_store_idx %arg15[%add3A_109, %broadcast_in_dim3A_19], %get3A_106 : memref<128x16xf32, #tpu.memory_space<vmem>>[vector<16xi32>, vector<16xi32>], vector<16xf32>,
      %mul3A_110 = arith.constant 128 : i32
      %mul3A_111 = arith.muli %add3A_50, %mul3A_110 : i32
      %add3A_112 = arith.constant 80 : i32
      %add3A_113 = arith.addi %mul3A_111, %add3A_112 : i32
      %multiple_of3A_114 = tpu.assume_multiple %add3A_113, 8 : i32
      %get3A_115 = arith.index_cast %multiple_of3A_114 : i32 to index
      %get3A_116 = tpu.vector_load %arg12[%get3A_115] {strides = array<i32>} : memref<6400xf32, #tpu.memory_space<vmem>>, vector<16xf32>,
      %add3A_117 = arith.constant 80 : i32
      %add3A_118 = vector.broadcast %add3A_117 : i32 to vector<16xi32>
      %add3A_119 = arith.addi %iota3A, %add3A_118 : vector<16xi32>
      tpu.vector_store_idx %arg15[%add3A_119, %broadcast_in_dim3A_19], %get3A_116 : memref<128x16xf32, #tpu.memory_space<vmem>>[vector<16xi32>, vector<16xi32>], vector<16xf32>,
      %mul3A_120 = arith.constant 128 : i32
      %mul3A_121 = arith.muli %add3A_50, %mul3A_120 : i32
      %add3A_122 = arith.constant 96 : i32
      %add3A_123 = arith.addi %mul3A_121, %add3A_122 : i32
      %multiple_of3A_124 = tpu.assume_multiple %add3A_123, 8 : i32
      %get3A_125 = arith.index_cast %multiple_of3A_124 : i32 to index
      %get3A_126 = tpu.vector_load %arg12[%get3A_125] {strides = array<i32>} : memref<6400xf32, #tpu.memory_space<vmem>>, vector<16xf32>,
      %add3A_127 = arith.constant 96 : i32
      %add3A_128 = vector.broadcast %add3A_127 : i32 to vector<16xi32>
      %add3A_129 = arith.addi %iota3A, %add3A_128 : vector<16xi32>
      tpu.vector_store_idx %arg15[%add3A_129, %broadcast_in_dim3A_19], %get3A_126 : memref<128x16xf32, #tpu.memory_space<vmem>>[vector<16xi32>, vector<16xi32>], vector<16xf32>,
      %mul3A_130 = arith.constant 128 : i32
      %mul3A_131 = arith.muli %add3A_50, %mul3A_130 : i32
      %add3A_132 = arith.constant 112 : i32
      %add3A_133 = arith.addi %mul3A_131, %add3A_132 : i32
      %multiple_of3A_134 = tpu.assume_multiple %add3A_133, 8 : i32
      %get3A_135 = arith.index_cast %multiple_of3A_134 : i32 to index
      %get3A_136 = tpu.vector_load %arg12[%get3A_135] {strides = array<i32>} : memref<6400xf32, #tpu.memory_space<vmem>>, vector<16xf32>,
      %add3A_137 = arith.constant 112 : i32
      %add3A_138 = vector.broadcast %add3A_137 : i32 to vector<16xi32>
      %add3A_139 = arith.addi %iota3A, %add3A_138 : vector<16xi32>
      tpu.vector_store_idx %arg15[%add3A_139, %broadcast_in_dim3A_19], %get3A_136 : memref<128x16xf32, #tpu.memory_space<vmem>>[vector<16xi32>, vector<16xi32>], vector<16xf32>,
      %dma_wait3A_140 = tpu.memref_slice %arg8[%multiple_of3A] : memref<6400xi32, #tpu.memory_space<vmem>> -> memref<128xi32, #tpu.memory_space<vmem>>
      %dma_wait3A_141 = arith.constant 0 : i32
      %dma_wait3A_142 = arith.constant 0 : i32
      %dma_wait3A_143 = tpu.memref_slice %arg2[%dma_wait3A_141, %dma_wait3A_142] : memref<1003520x64xf32, #tpu.memory_space<hbm>> -> memref<1003520x64xf32, #tpu.memory_space<hbm>>
      tpu.wait_indirect_dma semaphore(%arg18 : memref<!tpu.dma_semaphore, #tpu.memory_space<semaphore_mem>>) src(%dma_wait3A_143 : memref<1003520x64xf32, #tpu.memory_space<hbm>>) dst(%arg13 : memref<128x64xf32, #tpu.memory_space<vmem>>)
      %dma_start3A_144 = arith.constant 0 : i32
      %dma_start3A_145 = tpu.memref_slice %arg7[%add3A_55, %dma_start3A_144] : memref<204800x128xf32, #tpu.memory_space<hbm>> -> memref<128x64xf32, #tpu.memory_space<hbm>>
      %dma_start3A_146 = arith.constant 0 : i32
      %dma_start3A_147 = tpu.memref_slice %arg7[%add3A_55, %dma_start3A_146] : memref<204800x128xf32, #tpu.memory_space<hbm>> -> memref<128x64xf32, #tpu.memory_space<hbm>>
      tpu.enqueue_dma source(%arg13 : memref<128x64xf32, #tpu.memory_space<vmem>>) target(%dma_start3A_147 : memref<128x64xf32, #tpu.memory_space<hbm>>) target_semaphore(%arg20 : memref<!tpu.dma_semaphore, #tpu.memory_space<semaphore_mem>>)
      %dma_start3A_148 = arith.constant 64 : i32
      %dma_start3A_149 = tpu.memref_slice %arg7[%add3A_55, %dma_start3A_148] : memref<204800x128xf32, #tpu.memory_space<hbm>> -> memref<128x16xf32, #tpu.memory_space<hbm>>
      %dma_start3A_150 = arith.constant 64 : i32
      %dma_start3A_151 = tpu.memref_slice %arg7[%add3A_55, %dma_start3A_150] : memref<204800x128xf32, #tpu.memory_space<hbm>> -> memref<128x16xf32, #tpu.memory_space<hbm>>
      tpu.enqueue_dma source(%arg15 : memref<128x16xf32, #tpu.memory_space<vmem>>) target(%dma_start3A_151 : memref<128x16xf32, #tpu.memory_space<hbm>>) target_semaphore(%arg22 : memref<!tpu.dma_semaphore, #tpu.memory_space<semaphore_mem>>)
      %add3A_152 = arith.constant 1 : i32
      %add3A_153 = arith.addi %add3A_48, %add3A_152 : i32
      %mul3A_154 = arith.constant 128 : i32
      %mul3A_155 = arith.muli %add3A_153, %mul3A_154 : i32
      %multiple_of3A_156 = tpu.assume_multiple %mul3A_155, 8 : i32
      %mul3A_157 = arith.constant 128 : i32
      %mul3A_158 = arith.muli %add3A_153, %mul3A_157 : i32
      %add3A_159 = arith.addi %mul3A_2, %mul3A_158 : i32
      %ge3A_160 = arith.constant 2 : i32
      %ge3A_161 = arith.cmpi sge, %add3A_153, %ge3A_160 : i32
      %convert_element_type3A_162 = arith.extui %ge3A_161 : i1 to i32
      %cond3A_163 = arith.constant 0 : i32
      %cond3A_164 = arith.cmpi ne, %convert_element_type3A_162, %cond3A_163 : i32
      scf.if %cond3A_164 {
        %sub3A = arith.constant 256 : i32
        %sub3A_261 = arith.subi %add3A_159, %sub3A : i32
        %dma_wait3A_262 = arith.constant 0 : i32
        %dma_wait3A_263 = tpu.memref_slice %arg7[%sub3A_261, %dma_wait3A_262] : memref<204800x128xf32, #tpu.memory_space<hbm>> -> memref<128x64xf32, #tpu.memory_space<hbm>>
        %dma_wait3A_264 = arith.constant 0 : i32
        %dma_wait3A_265 = tpu.memref_slice %arg7[%sub3A_261, %dma_wait3A_264] : memref<204800x128xf32, #tpu.memory_space<hbm>> -> memref<128x64xf32, #tpu.memory_space<hbm>>
        tpu.wait_dma2 semaphore(%arg21 : memref<!tpu.dma_semaphore, #tpu.memory_space<semaphore_mem>>) src(%arg14 : memref<128x64xf32, #tpu.memory_space<vmem>>) dst(%dma_wait3A_265 : memref<128x64xf32, #tpu.memory_space<hbm>>)
        %sub3A_266 = arith.constant 256 : i32
        %sub3A_267 = arith.subi %add3A_159, %sub3A_266 : i32
        %dma_wait3A_268 = arith.constant 64 : i32
        %dma_wait3A_269 = tpu.memref_slice %arg7[%sub3A_267, %dma_wait3A_268] : memref<204800x128xf32, #tpu.memory_space<hbm>> -> memref<128x16xf32, #tpu.memory_space<hbm>>
        %dma_wait3A_270 = arith.constant 64 : i32
        %dma_wait3A_271 = tpu.memref_slice %arg7[%sub3A_267, %dma_wait3A_270] : memref<204800x128xf32, #tpu.memory_space<hbm>> -> memref<128x16xf32, #tpu.memory_space<hbm>>
        tpu.wait_dma2 semaphore(%arg23 : memref<!tpu.dma_semaphore, #tpu.memory_space<semaphore_mem>>) src(%arg16 : memref<128x16xf32, #tpu.memory_space<vmem>>) dst(%dma_wait3A_271 : memref<128x16xf32, #tpu.memory_space<hbm>>)
      } else {
      }
      %dma_start3A_165 = tpu.memref_slice %arg8[%multiple_of3A_156] : memref<6400xi32, #tpu.memory_space<vmem>> -> memref<128xi32, #tpu.memory_space<vmem>>
      %dma_start3A_166 = arith.constant 0 : i32
      %dma_start3A_167 = arith.constant 0 : i32
      %dma_start3A_168 = tpu.memref_slice %arg2[%dma_start3A_166, %dma_start3A_167] : memref<1003520x64xf32, #tpu.memory_space<hbm>> -> memref<1003520x64xf32, #tpu.memory_space<hbm>>
      tpu.enqueue_indirect_dma source(%dma_start3A_168 : memref<1003520x64xf32, #tpu.memory_space<hbm>>) target(%arg14 : memref<128x64xf32, #tpu.memory_space<vmem>>) offsets(%dma_start3A_165 : memref<128xi32, #tpu.memory_space<vmem>>) semaphore(%arg19 : memref<!tpu.dma_semaphore, #tpu.memory_space<semaphore_mem>>)
      %mul3A_169 = arith.constant 128 : i32
      %mul3A_170 = arith.muli %add3A_153, %mul3A_169 : i32
      %add3A_171 = arith.constant 0 : i32
      %add3A_172 = arith.addi %mul3A_170, %add3A_171 : i32
      %multiple_of3A_173 = tpu.assume_multiple %add3A_172, 8 : i32
      %get3A_174 = arith.index_cast %multiple_of3A_173 : i32 to index
      %get3A_175 = tpu.vector_load %arg12[%get3A_174] {strides = array<i32>} : memref<6400xf32, #tpu.memory_space<vmem>>, vector<16xf32>,
      %add3A_176 = arith.constant 0 : i32
      %add3A_177 = vector.broadcast %add3A_176 : i32 to vector<16xi32>
      %add3A_178 = arith.addi %iota3A, %add3A_177 : vector<16xi32>
      tpu.vector_store_idx %arg16[%add3A_178, %broadcast_in_dim3A_19], %get3A_175 : memref<128x16xf32, #tpu.memory_space<vmem>>[vector<16xi32>, vector<16xi32>], vector<16xf32>,
      %mul3A_179 = arith.constant 128 : i32
      %mul3A_180 = arith.muli %add3A_153, %mul3A_179 : i32
      %add3A_181 = arith.constant 16 : i32
      %add3A_182 = arith.addi %mul3A_180, %add3A_181 : i32
      %multiple_of3A_183 = tpu.assume_multiple %add3A_182, 8 : i32
      %get3A_184 = arith.index_cast %multiple_of3A_183 : i32 to index
      %get3A_185 = tpu.vector_load %arg12[%get3A_184] {strides = array<i32>} : memref<6400xf32, #tpu.memory_space<vmem>>, vector<16xf32>,
      %add3A_186 = arith.constant 16 : i32
      %add3A_187 = vector.broadcast %add3A_186 : i32 to vector<16xi32>
      %add3A_188 = arith.addi %iota3A, %add3A_187 : vector<16xi32>
      tpu.vector_store_idx %arg16[%add3A_188, %broadcast_in_dim3A_19], %get3A_185 : memref<128x16xf32, #tpu.memory_space<vmem>>[vector<16xi32>, vector<16xi32>], vector<16xf32>,
      %mul3A_189 = arith.constant 128 : i32
      %mul3A_190 = arith.muli %add3A_153, %mul3A_189 : i32
      %add3A_191 = arith.constant 32 : i32
      %add3A_192 = arith.addi %mul3A_190, %add3A_191 : i32
      %multiple_of3A_193 = tpu.assume_multiple %add3A_192, 8 : i32
      %get3A_194 = arith.index_cast %multiple_of3A_193 : i32 to index
      %get3A_195 = tpu.vector_load %arg12[%get3A_194] {strides = array<i32>} : memref<6400xf32, #tpu.memory_space<vmem>>, vector<16xf32>,
      %add3A_196 = arith.constant 32 : i32
      %add3A_197 = vector.broadcast %add3A_196 : i32 to vector<16xi32>
      %add3A_198 = arith.addi %iota3A, %add3A_197 : vector<16xi32>
      tpu.vector_store_idx %arg16[%add3A_198, %broadcast_in_dim3A_19], %get3A_195 : memref<128x16xf32, #tpu.memory_space<vmem>>[vector<16xi32>, vector<16xi32>], vector<16xf32>,
      %mul3A_199 = arith.constant 128 : i32
      %mul3A_200 = arith.muli %add3A_153, %mul3A_199 : i32
      %add3A_201 = arith.constant 48 : i32
      %add3A_202 = arith.addi %mul3A_200, %add3A_201 : i32
      %multiple_of3A_203 = tpu.assume_multiple %add3A_202, 8 : i32
      %get3A_204 = arith.index_cast %multiple_of3A_203 : i32 to index
      %get3A_205 = tpu.vector_load %arg12[%get3A_204] {strides = array<i32>} : memref<6400xf32, #tpu.memory_space<vmem>>, vector<16xf32>,
      %add3A_206 = arith.constant 48 : i32
      %add3A_207 = vector.broadcast %add3A_206 : i32 to vector<16xi32>
      %add3A_208 = arith.addi %iota3A, %add3A_207 : vector<16xi32>
      tpu.vector_store_idx %arg16[%add3A_208, %broadcast_in_dim3A_19], %get3A_205 : memref<128x16xf32, #tpu.memory_space<vmem>>[vector<16xi32>, vector<16xi32>], vector<16xf32>,
      %mul3A_209 = arith.constant 128 : i32
      %mul3A_210 = arith.muli %add3A_153, %mul3A_209 : i32
      %add3A_211 = arith.constant 64 : i32
      %add3A_212 = arith.addi %mul3A_210, %add3A_211 : i32
      %multiple_of3A_213 = tpu.assume_multiple %add3A_212, 8 : i32
      %get3A_214 = arith.index_cast %multiple_of3A_213 : i32 to index
      %get3A_215 = tpu.vector_load %arg12[%get3A_214] {strides = array<i32>} : memref<6400xf32, #tpu.memory_space<vmem>>, vector<16xf32>,
      %add3A_216 = arith.constant 64 : i32
      %add3A_217 = vector.broadcast %add3A_216 : i32 to vector<16xi32>
      %add3A_218 = arith.addi %iota3A, %add3A_217 : vector<16xi32>
      tpu.vector_store_idx %arg16[%add3A_218, %broadcast_in_dim3A_19], %get3A_215 : memref<128x16xf32, #tpu.memory_space<vmem>>[vector<16xi32>, vector<16xi32>], vector<16xf32>,
      %mul3A_219 = arith.constant 128 : i32
      %mul3A_220 = arith.muli %add3A_153, %mul3A_219 : i32
      %add3A_221 = arith.constant 80 : i32
      %add3A_222 = arith.addi %mul3A_220, %add3A_221 : i32
      %multiple_of3A_223 = tpu.assume_multiple %add3A_222, 8 : i32
      %get3A_224 = arith.index_cast %multiple_of3A_223 : i32 to index
      %get3A_225 = tpu.vector_load %arg12[%get3A_224] {strides = array<i32>} : memref<6400xf32, #tpu.memory_space<vmem>>, vector<16xf32>,
      %add3A_226 = arith.constant 80 : i32
      %add3A_227 = vector.broadcast %add3A_226 : i32 to vector<16xi32>
      %add3A_228 = arith.addi %iota3A, %add3A_227 : vector<16xi32>
      tpu.vector_store_idx %arg16[%add3A_228, %broadcast_in_dim3A_19], %get3A_225 : memref<128x16xf32, #tpu.memory_space<vmem>>[vector<16xi32>, vector<16xi32>], vector<16xf32>,
      %mul3A_229 = arith.constant 128 : i32
      %mul3A_230 = arith.muli %add3A_153, %mul3A_229 : i32
      %add3A_231 = arith.constant 96 : i32
      %add3A_232 = arith.addi %mul3A_230, %add3A_231 : i32
      %multiple_of3A_233 = tpu.assume_multiple %add3A_232, 8 : i32
      %get3A_234 = arith.index_cast %multiple_of3A_233 : i32 to index
      %get3A_235 = tpu.vector_load %arg12[%get3A_234] {strides = array<i32>} : memref<6400xf32, #tpu.memory_space<vmem>>, vector<16xf32>,
      %add3A_236 = arith.constant 96 : i32
      %add3A_237 = vector.broadcast %add3A_236 : i32 to vector<16xi32>
      %add3A_238 = arith.addi %iota3A, %add3A_237 : vector<16xi32>
      tpu.vector_store_idx %arg16[%add3A_238, %broadcast_in_dim3A_19], %get3A_235 : memref<128x16xf32, #tpu.memory_space<vmem>>[vector<16xi32>, vector<16xi32>], vector<16xf32>,
      %mul3A_239 = arith.constant 128 : i32
      %mul3A_240 = arith.muli %add3A_153, %mul3A_239 : i32
      %add3A_241 = arith.constant 112 : i32
      %add3A_242 = arith.addi %mul3A_240, %add3A_241 : i32
      %multiple_of3A_243 = tpu.assume_multiple %add3A_242, 8 : i32
      %get3A_244 = arith.index_cast %multiple_of3A_243 : i32 to index
      %get3A_245 = tpu.vector_load %arg12[%get3A_244] {strides = array<i32>} : memref<6400xf32, #tpu.memory_space<vmem>>, vector<16xf32>,
      %add3A_246 = arith.constant 112 : i32
      %add3A_247 = vector.broadcast %add3A_246 : i32 to vector<16xi32>
      %add3A_248 = arith.addi %iota3A, %add3A_247 : vector<16xi32>
      tpu.vector_store_idx %arg16[%add3A_248, %broadcast_in_dim3A_19], %get3A_245 : memref<128x16xf32, #tpu.memory_space<vmem>>[vector<16xi32>, vector<16xi32>], vector<16xf32>,
      %dma_wait3A_249 = tpu.memref_slice %arg8[%multiple_of3A_156] : memref<6400xi32, #tpu.memory_space<vmem>> -> memref<128xi32, #tpu.memory_space<vmem>>
      %dma_wait3A_250 = arith.constant 0 : i32
      %dma_wait3A_251 = arith.constant 0 : i32
      %dma_wait3A_252 = tpu.memref_slice %arg2[%dma_wait3A_250, %dma_wait3A_251] : memref<1003520x64xf32, #tpu.memory_space<hbm>> -> memref<1003520x64xf32, #tpu.memory_space<hbm>>
      tpu.wait_indirect_dma semaphore(%arg19 : memref<!tpu.dma_semaphore, #tpu.memory_space<semaphore_mem>>) src(%dma_wait3A_252 : memref<1003520x64xf32, #tpu.memory_space<hbm>>) dst(%arg14 : memref<128x64xf32, #tpu.memory_space<vmem>>)
      %dma_start3A_253 = arith.constant 0 : i32
      %dma_start3A_254 = tpu.memref_slice %arg7[%add3A_159, %dma_start3A_253] : memref<204800x128xf32, #tpu.memory_space<hbm>> -> memref<128x64xf32, #tpu.memory_space<hbm>>
      %dma_start3A_255 = arith.constant 0 : i32
      %dma_start3A_256 = tpu.memref_slice %arg7[%add3A_159, %dma_start3A_255] : memref<204800x128xf32, #tpu.memory_space<hbm>> -> memref<128x64xf32, #tpu.memory_space<hbm>>
      tpu.enqueue_dma source(%arg14 : memref<128x64xf32, #tpu.memory_space<vmem>>) target(%dma_start3A_256 : memref<128x64xf32, #tpu.memory_space<hbm>>) target_semaphore(%arg21 : memref<!tpu.dma_semaphore, #tpu.memory_space<semaphore_mem>>)
      %dma_start3A_257 = arith.constant 64 : i32
      %dma_start3A_258 = tpu.memref_slice %arg7[%add3A_159, %dma_start3A_257] : memref<204800x128xf32, #tpu.memory_space<hbm>> -> memref<128x16xf32, #tpu.memory_space<hbm>>
      %dma_start3A_259 = arith.constant 64 : i32
      %dma_start3A_260 = tpu.memref_slice %arg7[%add3A_159, %dma_start3A_259] : memref<204800x128xf32, #tpu.memory_space<hbm>> -> memref<128x16xf32, #tpu.memory_space<hbm>>
      tpu.enqueue_dma source(%arg16 : memref<128x16xf32, #tpu.memory_space<vmem>>) target(%dma_start3A_260 : memref<128x16xf32, #tpu.memory_space<hbm>>) target_semaphore(%arg23 : memref<!tpu.dma_semaphore, #tpu.memory_space<semaphore_mem>>)
    }
    %scan3A_24 = arith.constant 25 : i32
    %add3A_25 = arith.constant 6144 : i32
    %add3A_26 = arith.addi %mul3A_2, %add3A_25 : i32
    %dma_wait3A = arith.constant 0 : i32
    %dma_wait3A_27 = tpu.memref_slice %arg7[%add3A_26, %dma_wait3A] : memref<204800x128xf32, #tpu.memory_space<hbm>> -> memref<128x64xf32, #tpu.memory_space<hbm>>
    %dma_wait3A_28 = arith.constant 0 : i32
    %dma_wait3A_29 = tpu.memref_slice %arg7[%add3A_26, %dma_wait3A_28] : memref<204800x128xf32, #tpu.memory_space<hbm>> -> memref<128x64xf32, #tpu.memory_space<hbm>>
    tpu.wait_dma2 semaphore(%arg20 : memref<!tpu.dma_semaphore, #tpu.memory_space<semaphore_mem>>) src(%arg13 : memref<128x64xf32, #tpu.memory_space<vmem>>) dst(%dma_wait3A_29 : memref<128x64xf32, #tpu.memory_space<hbm>>)
    %dma_wait3A_30 = arith.constant 64 : i32
    %dma_wait3A_31 = tpu.memref_slice %arg7[%add3A_26, %dma_wait3A_30] : memref<204800x128xf32, #tpu.memory_space<hbm>> -> memref<128x16xf32, #tpu.memory_space<hbm>>
    %dma_wait3A_32 = arith.constant 64 : i32
    %dma_wait3A_33 = tpu.memref_slice %arg7[%add3A_26, %dma_wait3A_32] : memref<204800x128xf32, #tpu.memory_space<hbm>> -> memref<128x16xf32, #tpu.memory_space<hbm>>
    tpu.wait_dma2 semaphore(%arg22 : memref<!tpu.dma_semaphore, #tpu.memory_space<semaphore_mem>>) src(%arg15 : memref<128x16xf32, #tpu.memory_space<vmem>>) dst(%dma_wait3A_33 : memref<128x16xf32, #tpu.memory_space<hbm>>)
    %add3A_34 = arith.constant 6272 : i32
    %add3A_35 = arith.addi %mul3A_2, %add3A_34 : i32
    %dma_wait3A_36 = arith.constant 0 : i32
    %dma_wait3A_37 = tpu.memref_slice %arg7[%add3A_35, %dma_wait3A_36] : memref<204800x128xf32, #tpu.memory_space<hbm>> -> memref<128x64xf32, #tpu.memory_space<hbm>>
    %dma_wait3A_38 = arith.constant 0 : i32
    %dma_wait3A_39 = tpu.memref_slice %arg7[%add3A_35, %dma_wait3A_38] : memref<204800x128xf32, #tpu.memory_space<hbm>> -> memref<128x64xf32, #tpu.memory_space<hbm>>
    tpu.wait_dma2 semaphore(%arg21 : memref<!tpu.dma_semaphore, #tpu.memory_space<semaphore_mem>>) src(%arg14 : memref<128x64xf32, #tpu.memory_space<vmem>>) dst(%dma_wait3A_39 : memref<128x64xf32, #tpu.memory_space<hbm>>)
    %dma_wait3A_40 = arith.constant 64 : i32
    %dma_wait3A_41 = tpu.memref_slice %arg7[%add3A_35, %dma_wait3A_40] : memref<204800x128xf32, #tpu.memory_space<hbm>> -> memref<128x16xf32, #tpu.memory_space<hbm>>
    %dma_wait3A_42 = arith.constant 64 : i32
    %dma_wait3A_43 = tpu.memref_slice %arg7[%add3A_35, %dma_wait3A_42] : memref<204800x128xf32, #tpu.memory_space<hbm>> -> memref<128x16xf32, #tpu.memory_space<hbm>>
    tpu.wait_dma2 semaphore(%arg23 : memref<!tpu.dma_semaphore, #tpu.memory_space<semaphore_mem>>) src(%arg16 : memref<128x16xf32, #tpu.memory_space<vmem>>) dst(%dma_wait3A_43 : memref<128x16xf32, #tpu.memory_space<hbm>>)
    return
  }
}

module attributes {stable_mosaic.version = 14 : i64} {
  func.func @_repack_body(%arg0: i32, %arg1: memref<64x4096xf32, #tpu.memory_space<vmem>>, %arg2: memref<2048x128xf32, #tpu.memory_space<vmem>>) attributes {dimension_semantics = [#tpu.dimension_semantics<arbitrary>], iteration_bounds = array<i64: 245>, scalar_prefetch = 0 : i64, scratch_operands = 0 : i64, tpu.core_type = #tpu.core_type<tc>, window_params = [{transform_indices = @transform_0, window_bounds = array<i64: 64, 4096>}, {transform_indices = @transform_1, window_bounds = array<i64: 2048, 128>}]} {
    %get3A = arith.constant 0 : index
    %get3A_0 = arith.constant 0 : index
    %get3A_1 = vector.load %arg1[%get3A, %get3A_0] : memref<64x4096xf32, #tpu.memory_space<vmem>>, vector<64x4096xf32>
    %slice3A = vector.extract_strided_slice %get3A_1 {offsets = [0, 0], sizes = [64, 2048], strides = [1, 1]} : vector<64x4096xf32> to vector<64x2048xf32>
    %transpose3A = tpu.transpose %slice3A, [1, 0] : vector<64x2048xf32> -> vector<2048x64xf32>
    %slice3A_2 = vector.extract_strided_slice %get3A_1 {offsets = [0, 2048], sizes = [64, 2048], strides = [1, 1]} : vector<64x4096xf32> to vector<64x2048xf32>
    %transpose3A_3 = tpu.transpose %slice3A_2, [1, 0] : vector<64x2048xf32> -> vector<2048x64xf32>
    %concatenate3A = tpu.concatenate %transpose3A, %transpose3A_3 in 1 : vector<2048x64xf32>, vector<2048x64xf32> -> vector<2048x128xf32>
    %swap3A = arith.constant 0 : index
    %swap3A_4 = arith.constant 0 : index
    %swap3A_5 = vector.load %arg2[%swap3A, %swap3A_4] : memref<2048x128xf32, #tpu.memory_space<vmem>>, vector<2048x128xf32>
    tpu.vector_store %arg2[%swap3A, %swap3A_4], %concatenate3A {strides = array<i32>} : memref<2048x128xf32, #tpu.memory_space<vmem>>, vector<2048x128xf32>,
    return
  }
  func.func @transform_0(%arg0: i32) -> (i32, i32) {
    %c0_i32 = arith.constant 0 : i32
    %c0_i32_0 = arith.constant 0 : i32
    return %c0_i32, %arg0 : i32, i32
  }
  func.func @transform_1(%arg0: i32) -> (i32, i32) {
    %c0_i32 = arith.constant 0 : i32
    %c0_i32_0 = arith.constant 0 : i32
    return %arg0, %c0_i32 : i32, i32
  }
}

module attributes {stable_mosaic.version = 14 : i64} {
  func.func @_tc_body(%arg0: i32, %arg1: memref<25x128x128xf32, #tpu.memory_space<vmem>>, %arg2: memref<16x200x64xf32, #tpu.memory_space<vmem>>, %arg3: memref<64x128xbf16, #tpu.memory_space<vmem>>, %arg4: memref<3200x64xf32, #tpu.memory_space<vmem>>, %arg5: memref<2x64xi32, #tpu.memory_space<vmem>>, %arg6: memref<1x64xf32, #tpu.memory_space<vmem>>, %arg7: memref<1x64xf32, #tpu.memory_space<vmem>>, %arg8: memref<16x200x64xf32, #tpu.memory_space<vmem>>) attributes {dimension_semantics = [#tpu.dimension_semantics<arbitrary>], iteration_bounds = array<i64: 64>, scalar_prefetch = 0 : i64, scratch_operands = 0 : i64, tpu.core_type = #tpu.core_type<tc>, window_params = [{transform_indices = @transform_0, window_bounds = array<i64: 25, 128, 128>}, {transform_indices = @transform_1, window_bounds = array<i64: 16, 200, 64>}, {pipeline_mode = #tpu.pipeline_mode<synchronous>, transform_indices = @transform_2, window_bounds = array<i64: 64, 128>}, {pipeline_mode = #tpu.pipeline_mode<synchronous>, transform_indices = @transform_3, window_bounds = array<i64: 3200, 64>}, {pipeline_mode = #tpu.pipeline_mode<synchronous>, transform_indices = @transform_4, window_bounds = array<i64: 2, 64>}, {pipeline_mode = #tpu.pipeline_mode<synchronous>, transform_indices = @transform_5, window_bounds = array<i64: 1, 64>}, {pipeline_mode = #tpu.pipeline_mode<synchronous>, transform_indices = @transform_6, window_bounds = array<i64: 1, 64>}, {transform_indices = @transform_7, window_bounds = array<i64: 16, 200, 64>}]} {
    %get3A = arith.constant 0 : index
    %get3A_0 = arith.constant 0 : index
    %get3A_1 = arith.constant 0 : index
    %get3A_2 = vector.load %arg2[%get3A, %get3A_0, %get3A_1] : memref<16x200x64xf32, #tpu.memory_space<vmem>>, vector<16x200x64xf32>
    %reshape3A = vector.shape_cast %get3A_2 : vector<16x200x64xf32> to vector<3200x64xf32>
    %get3A_3 = arith.constant 0 : index
    %get3A_4 = arith.constant 0 : index
    %get3A_5 = arith.constant 0 : index
    %get3A_6 = vector.load %arg1[%get3A_3, %get3A_4, %get3A_5] : memref<25x128x128xf32, #tpu.memory_space<vmem>>, vector<25x128x128xf32>
    %reshape3A_7 = vector.shape_cast %get3A_6 : vector<25x128x128xf32> to vector<3200x128xf32>
    %slice3A = vector.extract_strided_slice %reshape3A_7 {offsets = [0, 64], sizes = [3200, 1], strides = [1, 1]} : vector<3200x128xf32> to vector<3200x1xf32>
    %bitcast_convert_type3A = tpu.bitcast %slice3A : vector<3200x1xf32> -> vector<3200x1xi32>
    %get3A_8 = arith.constant 0 : index
    %get3A_9 = arith.constant 0 : index
    %get3A_10 = vector.load %arg5[%get3A_8, %get3A_9] : memref<2x64xi32, #tpu.memory_space<vmem>>, vector<1x64xi32>
    %get3A_11 = arith.constant 1 : index
    %get3A_12 = arith.constant 0 : index
    %get3A_13 = vector.load %arg5[%get3A_11, %get3A_12] : memref<2x64xi32, #tpu.memory_space<vmem>>, vector<1x64xi32>
    %xor3A = vector.broadcast %bitcast_convert_type3A : vector<3200x1xi32> to vector<3200x64xi32>
    %xor3A_14 = vector.broadcast %get3A_10 : vector<1x64xi32> to vector<3200x64xi32>
    %xor3A_15 = arith.xori %xor3A, %xor3A_14 : vector<3200x64xi32>
    %and3A = vector.broadcast %get3A_13 : vector<1x64xi32> to vector<3200x64xi32>
    %and3A_16 = arith.andi %xor3A_15, %and3A : vector<3200x64xi32>
    %eq3A = arith.constant 0 : i32
    %eq3A_17 = vector.broadcast %eq3A : i32 to vector<3200x64xi32>
    %eq3A_18 = arith.cmpi eq, %and3A_16, %eq3A_17 : vector<3200x64xi32>
    %convert_element_type3A = arith.extui %eq3A_18 : vector<3200x64xi1> to vector<3200x64xi32>
    %convert_element_type3A_19 = arith.sitofp %convert_element_type3A : vector<3200x64xi32> to vector<3200x64xf32>
    %convert_element_type3A_20 = arith.truncf %convert_element_type3A_19 : vector<3200x64xf32> to vector<3200x64xbf16>
    %get3A_21 = arith.constant 0 : index
    %get3A_22 = arith.constant 0 : index
    %get3A_23 = vector.load %arg3[%get3A_21, %get3A_22] : memref<64x128xbf16, #tpu.memory_space<vmem>>, vector<64x128xbf16>
    %dot_general3A = arith.constant dense<0.000000e+00> : vector<3200x128xf32>
    %dot_general3A_24 = tpu.matmul %convert_element_type3A_20, %get3A_23, %dot_general3A {dimension_numbers = #tpu.dot_dimension_numbers<[1], [0], [0], [1], [0, 0, 1, 1], [], []>, transpose_lhs_hint = false} : vector<3200x64xbf16>, vector<64x128xbf16>, vector<3200x128xf32> -> vector<3200x128xf32>
    %slice3A_25 = vector.extract_strided_slice %dot_general3A_24 {offsets = [0, 0], sizes = [3200, 64], strides = [1, 1]} : vector<3200x128xf32> to vector<3200x64xf32>
    %slice3A_26 = vector.extract_strided_slice %dot_general3A_24 {offsets = [0, 64], sizes = [3200, 64], strides = [1, 1]} : vector<3200x128xf32> to vector<3200x64xf32>
    %slice3A_27 = vector.extract_strided_slice %reshape3A_7 {offsets = [0, 0], sizes = [3200, 64], strides = [1, 1]} : vector<3200x128xf32> to vector<3200x64xf32>
    %add3A = arith.addf %slice3A_27, %slice3A_25 : vector<3200x64xf32>
    %get3A_28 = arith.constant 0 : index
    %get3A_29 = arith.constant 0 : index
    %get3A_30 = vector.load %arg4[%get3A_28, %get3A_29] : memref<3200x64xf32, #tpu.memory_space<vmem>>, vector<3200x64xf32>
    %add3A_31 = arith.addf %add3A, %get3A_30 : vector<3200x64xf32>
    %sub3A = arith.constant 1.000000e+00 : f32
    %sub3A_32 = vector.broadcast %sub3A : f32 to vector<3200x64xf32>
    %sub3A_33 = arith.subf %sub3A_32, %slice3A_26 : vector<3200x64xf32>
    %mul3A = arith.mulf %reshape3A, %sub3A_33 : vector<3200x64xf32>
    %add3A_34 = arith.addf %add3A_31, %mul3A : vector<3200x64xf32>
    %reduce_sum3A = arith.constant dense<0.000000e+00> : vector<3200xf32>
    %reduce_sum3A_35 = vector.multi_reduction <add>, %add3A_34, %reduce_sum3A [1] : vector<3200x64xf32> to vector<3200xf32>
    %broadcast_in_dim3A = vector.shape_cast %reduce_sum3A_35 : vector<3200xf32> to vector<3200x1xf32>
    %mul3A_36 = arith.mulf %add3A_34, %add3A_34 : vector<3200x64xf32>
    %reduce_sum3A_37 = arith.constant dense<0.000000e+00> : vector<3200xf32>
    %reduce_sum3A_38 = vector.multi_reduction <add>, %mul3A_36, %reduce_sum3A_37 [1] : vector<3200x64xf32> to vector<3200xf32>
    %broadcast_in_dim3A_39 = vector.shape_cast %reduce_sum3A_38 : vector<3200xf32> to vector<3200x1xf32>
    %mul3A_40 = arith.constant 1.562500e-02 : f32
    %mul3A_41 = vector.broadcast %mul3A_40 : f32 to vector<3200x1xf32>
    %mul3A_42 = arith.mulf %broadcast_in_dim3A, %mul3A_41 : vector<3200x1xf32>
    %mul3A_43 = arith.constant 1.562500e-02 : f32
    %mul3A_44 = vector.broadcast %mul3A_43 : f32 to vector<3200x1xf32>
    %mul3A_45 = arith.mulf %broadcast_in_dim3A_39, %mul3A_44 : vector<3200x1xf32>
    %mul3A_46 = arith.mulf %mul3A_42, %mul3A_42 : vector<3200x1xf32>
    %sub3A_47 = arith.subf %mul3A_45, %mul3A_46 : vector<3200x1xf32>
    %sub3A_48 = vector.broadcast %mul3A_42 : vector<3200x1xf32> to vector<3200x64xf32>
    %sub3A_49 = arith.subf %add3A_34, %sub3A_48 : vector<3200x64xf32>
    %add3A_50 = arith.constant 9.99999996E-13 : f32
    %add3A_51 = vector.broadcast %add3A_50 : f32 to vector<3200x1xf32>
    %add3A_52 = arith.addf %sub3A_47, %add3A_51 : vector<3200x1xf32>
    %rsqrt3A = math.rsqrt %add3A_52 : vector<3200x1xf32>
    %mul3A_53 = vector.broadcast %rsqrt3A : vector<3200x1xf32> to vector<3200x64xf32>
    %mul3A_54 = arith.mulf %sub3A_49, %mul3A_53 : vector<3200x64xf32>
    %get3A_55 = arith.constant 0 : index
    %get3A_56 = arith.constant 0 : index
    %get3A_57 = vector.load %arg6[%get3A_55, %get3A_56] : memref<1x64xf32, #tpu.memory_space<vmem>>, vector<1x64xf32>
    %mul3A_58 = vector.broadcast %get3A_57 : vector<1x64xf32> to vector<3200x64xf32>
    %mul3A_59 = arith.mulf %mul3A_54, %mul3A_58 : vector<3200x64xf32>
    %get3A_60 = arith.constant 0 : index
    %get3A_61 = arith.constant 0 : index
    %get3A_62 = vector.load %arg7[%get3A_60, %get3A_61] : memref<1x64xf32, #tpu.memory_space<vmem>>, vector<1x64xf32>
    %add3A_63 = vector.broadcast %get3A_62 : vector<1x64xf32> to vector<3200x64xf32>
    %add3A_64 = arith.addf %mul3A_59, %add3A_63 : vector<3200x64xf32>
    %reshape3A_65 = vector.shape_cast %add3A_64 : vector<3200x64xf32> to vector<16x200x64xf32>
    %swap3A = arith.constant 0 : index
    %swap3A_66 = arith.constant 0 : index
    %swap3A_67 = arith.constant 0 : index
    %swap3A_68 = vector.load %arg8[%swap3A, %swap3A_66, %swap3A_67] : memref<16x200x64xf32, #tpu.memory_space<vmem>>, vector<16x200x64xf32>
    tpu.vector_store %arg8[%swap3A, %swap3A_66, %swap3A_67], %reshape3A_65 {strides = array<i32>} : memref<16x200x64xf32, #tpu.memory_space<vmem>>, vector<16x200x64xf32>,
    return
  }
  func.func @transform_0(%arg0: i32) -> (i32, i32, i32) {
    %c0_i32 = arith.constant 0 : i32
    %c0_i32_0 = arith.constant 0 : i32
    %c0_i32_1 = arith.constant 0 : i32
    return %arg0, %c0_i32, %c0_i32_0 : i32, i32, i32
  }
  func.func @transform_1(%arg0: i32) -> (i32, i32, i32) {
    %c0_i32 = arith.constant 0 : i32
    %c0_i32_0 = arith.constant 0 : i32
    %c0_i32_1 = arith.constant 0 : i32
    return %arg0, %c0_i32, %c0_i32_0 : i32, i32, i32
  }
  func.func @transform_2(%arg0: i32) -> (i32, i32) {
    %c0_i32 = arith.constant 0 : i32
    %c0_i32_0 = arith.constant 0 : i32
    %c0_i32_1 = arith.constant 0 : i32
    return %c0_i32, %c0_i32_0 : i32, i32
  }
  func.func @transform_3(%arg0: i32) -> (i32, i32) {
    %c0_i32 = arith.constant 0 : i32
    %c0_i32_0 = arith.constant 0 : i32
    %c0_i32_1 = arith.constant 0 : i32
    return %c0_i32, %c0_i32_0 : i32, i32
  }
  func.func @transform_4(%arg0: i32) -> (i32, i32) {
    %c0_i32 = arith.constant 0 : i32
    %c0_i32_0 = arith.constant 0 : i32
    %c0_i32_1 = arith.constant 0 : i32
    return %c0_i32, %c0_i32_0 : i32, i32
  }
  func.func @transform_5(%arg0: i32) -> (i32, i32) {
    %c0_i32 = arith.constant 0 : i32
    %c0_i32_0 = arith.constant 0 : i32
    %c0_i32_1 = arith.constant 0 : i32
    return %c0_i32, %c0_i32_0 : i32, i32
  }
  func.func @transform_6(%arg0: i32) -> (i32, i32) {
    %c0_i32 = arith.constant 0 : i32
    %c0_i32_0 = arith.constant 0 : i32
    %c0_i32_1 = arith.constant 0 : i32
    return %c0_i32, %c0_i32_0 : i32, i32
  }
  func.func @transform_7(%arg0: i32) -> (i32, i32, i32) {
    %c0_i32 = arith.constant 0 : i32
    %c0_i32_0 = arith.constant 0 : i32
    %c0_i32_1 = arith.constant 0 : i32
    return %arg0, %c0_i32, %c0_i32_0 : i32, i32, i32
  }
}

</mosaic_0001>

<sc_bundles>
// kernel: kernel.5.cloned.1.call-start
scs
__scs_entry_jumppad:
0x0: {  	(pc) =	sbr.rel $0x88, $3  }
0x1: {  	(tag) =	ssettag $0x0;
	lr =	simm.s32 $0x1  }
0x2: {  	[smem:$0x3F95] =	sst lr;
	_ =	strace $0xD0000000  }
0x3: {  	_ = 	snop  }
0x4: {  	_ = 	snop  }
0x5: {  	_ = 	snop  }
0x6: {  	_ = 	snop  }
0x7: {  	_ = 	snop  }
__scs_overlays_trampoline_lowered:
0x8: {  	[smem:$0x3FA4] =	sst s0  }
0x9: {  	[smem:$0x3FA5] =	sst s1  }
0xa: {  	[smem:$0x3FA6] =	sst s2  }
0xb: {  	[smem:$0x3FA7] =	sst s3  }
0xc: {  	[smem:$0x3FA8] =	sst s4  }
0xd: {  	[smem:$0x3FA9] =	sst s5  }
0xe: {  	[smem:$0x3FAA] =	sst s6  }
0xf: {  	[smem:$0x3FAB] =	sst s7  }
0x10: {  	[smem:$0x3FAC] =	sst s8  }
0x11: {  	[smem:$0x3FAD] =	sst s9;
	s0 =	simm.s32 @!p0 $0x0  }
0x12: {  	s1 =	sld [smem:$0x3F93];
	s0 =	simm.s32 @p0 $0x1  }
0x13: {  	[smem:$0x3FAE] =	sst s0;
	s0 =	simm.s32 @!p1 $0x0  }
0x14: {  	s2 =	sld [smem:$0x3F92];
	s0 =	simm.s32 @p1 $0x1  }
0x15: {  	[smem:$0x3FAF] =	sst s0;
	s0 =	simm.s32 @!p2 $0x0  }
0x16: {  	s3 =	sld [smem:$0x3FDB];
	s0 =	simm.s32 @p2 $0x1  }
0x17: {  	s4 =	simm.s32 $0x1BF5;
	[smem:$0x3FB1] =	sst s0  }
0x18: {  	s0 =	sld [smem:$0x3F94];
	_ =	swait.ge [sflag:s4], $0x0  }
0x19: {  	s7 =	sld [smem:$0x3F95]  }
0x1a: {  	s8 =	sadd.s32 $0xFFFFE003, lr  }
0x1b: {  	s9 =	sadd.s32 $0xFFFFFEF7, lr;
	s5 =	simm.s32 $0xFFFFFFFF;
	p2 =	slt.u32 s8, $0xFFFFF086  }
0x1c: {  	p1 =	slt.u32 s9, $0xF7A;
	s5 =	simm.s32 @!p2 $0x0  }
0x1d: {  	s5 =	simm.s32 @p1 $0x1;
	p0 =	seq.s32 s7, s2  }
0x1e: {  	s7 =	smul.u32 @!p0 $0xF7A, s2;
	p2 =	seq.s32 @!p0 s5, $0x0  }
0x1f: {  	s9 =	smul.u32 $0xF7A, s1;
	s8 =	simm.s32 @!p0 $0x1BF5;
	p2 =	por !p2, p0  }
0x20: {  	[sflag:s8] =	ssyncset.s32 @!p0 $0xFFFFF086;
	s6 =	sadd.s32 @!p0 s3, s7;
	s7 =	simm.s32 @!p0 $0x108  }
0x21: {  	s3 =	sadd.s32 s3, s9;
	s6 =	sadd.s32 @!p0 $0x88, s6;
	s7 =	simm.s32 @p2 $0x1082  }
0x22: {  	[simem:s7], [sflag:s8] =	dma.local @!p0 [hbm:s6], $0xF7A  }
0x23: {  	s9 =	sor.u32 $0xD0000000, s2;
	s6 =	simm.s32 $0x108;
	_ =	swait.ge @!p0 [sflag:s8], $0x0  }
0x24: {  	s3 =	sadd.s32 $0x88, s3;
	s6 =	simm.s32 @!p1 $0x1082;
	[sflag:s4] =	ssyncset.s32 $0xFFFFF086  }
0x25: {  	[simem:s6], [sflag:s4] =	dma.local [hbm:s3], $0xF7A  }
0x26: {  	[smem:$0x3F95] =	sst s1;
	(tag) =	ssettag s2;
	_ =	strace s9  }
0x27: {  	s1 =	sld [smem:$0x3FA5]  }
0x28: {  	s2 =	sld [smem:$0x3FA6]  }
0x29: {  	s4 =	sld [smem:$0x3FA8]  }
0x2a: {  	p0 =	seq.s32 s5, $0x0;
	s5 =	sld [smem:$0x3FA9]  }
0x2b: {  	s6 =	sld [smem:$0x3FAA]  }
0x2c: {  	s7 =	sld [smem:$0x3FAB]  }
0x2d: {  	s3 =	simm.s32 $0x108;
	s8 =	sld [smem:$0x3FAC]  }
0x2e: {  	s3 =	simm.s32 @!p0 $0x1082;
	s9 =	sld [smem:$0x3FAD]  }
0x2f: {  	lr =	sadd.s32 s0, s3;
	s0 =	sld [smem:$0x3FA4]  }
0x30: {  	s3 =	sld [smem:$0x3FA7]  }
0x31: {  	[smem:$0x3FB0] =	sst s10  }
0x32: {  	s10 =	sld [smem:$0x3FAE];
	_ =	sdelay $0x3  }
0x33: {  	p0 =	seq.s32 s10, $0x1;
	s10 =	sld [smem:$0x3FB0];
	_ =	sdelay $0x3  }
0x34: {  	[smem:$0x3FB0] =	sst s10  }
0x35: {  	s10 =	sld [smem:$0x3FAF];
	_ =	sdelay $0x3  }
0x36: {  	p1 =	seq.s32 s10, $0x1;
	s10 =	sld [smem:$0x3FB0];
	_ =	sdelay $0x3  }
0x37: {  	[smem:$0x3FB0] =	sst s10  }
0x38: {  	s10 =	sld [smem:$0x3FB1]  }
0x39: {  	_ = 	snop;
	(pc) =	sbr.ind lr, $3  }
0x3a: {  	_ = 	snop  }
0x3b: {  	_ = 	snop  }
0x3c: {  	p2 =	seq.s32 s10, $0x1;
	s10 =	sld [smem:$0x3FB0]  }
0x3d: {  	_ =	shalt  }
0x3e: {  	_ =	shalt  }
0x3f: {  	_ =	shalt  }
0x40: {  	_ =	shalt  }
0x41: {  	_ =	shalt  }
0x42: {  	_ =	shalt  }
0x43: {  	_ =	shalt  }
0x44: {  	_ =	shalt  }
0x45: {  	_ =	shalt  }
0x46: {  	_ =	shalt  }
0x47: {  	_ =	shalt  }
0x48: {  	_ =	shalt  }
0x49: {  	_ =	shalt  }
0x4a: {  	_ =	shalt  }
0x4b: {  	_ =	shalt  }
0x4c: {  	_ =	shalt  }
0x4d: {  	_ =	shalt  }
0x4e: {  	_ =	shalt  }
0x4f: {  	_ =	shalt  }
0x50: {  	_ =	shalt  }
0x51: {  	_ =	shalt  }
0x52: {  	_ =	shalt  }
0x53: {  	_ =	shalt  }
0x54: {  	_ =	shalt  }
0x55: {  	_ =	shalt  }
0x56: {  	_ =	shalt  }
0x57: {  	_ =	shalt  }
0x58: {  	_ =	shalt  }
0x59: {  	_ =	shalt  }
0x5a: {  	_ =	shalt  }
0x5b: {  	_ =	shalt  }
0x5c: {  	_ =	shalt  }
0x5d: {  	_ =	shalt  }
0x5e: {  	_ =	shalt  }
0x5f: {  	_ =	shalt  }
0x60: {  	_ =	shalt  }
0x61: {  	_ =	shalt  }
0x62: {  	_ =	shalt  }
0x63: {  	_ =	shalt  }
0x64: {  	_ =	shalt  }
0x65: {  	_ =	shalt  }
0x66: {  	_ =	shalt  }
0x67: {  	_ =	shalt  }
0x68: {  	_ =	shalt  }
0x69: {  	_ =	shalt  }
0x6a: {  	_ =	shalt  }
0x6b: {  	_ =	shalt  }
0x6c: {  	_ =	shalt  }
0x6d: {  	_ =	shalt  }
0x6e: {  	_ =	shalt  }
0x6f: {  	_ =	shalt  }
0x70: {  	_ =	shalt  }
0x71: {  	_ =	shalt  }
0x72: {  	_ =	shalt  }
0x73: {  	_ =	shalt  }
0x74: {  	_ =	shalt  }
0x75: {  	_ =	shalt  }
0x76: {  	_ =	shalt  }
0x77: {  	_ =	shalt  }
0x78: {  	_ =	shalt  }
0x79: {  	_ =	shalt  }
0x7a: {  	_ =	shalt  }
0x7b: {  	_ =	shalt  }
0x7c: {  	_ =	shalt  }
0x7d: {  	_ =	shalt  }
0x7e: {  	_ =	shalt  }
0x7f: {  	_ =	shalt  }
0x80: {  	_ =	shalt  }
0x81: {  	_ =	shalt  }
0x82: {  	_ =	shalt  }
0x83: {  	_ =	shalt  }
0x84: {  	_ =	shalt  }
0x85: {  	_ =	shalt  }
0x86: {  	_ =	shalt  }
0x87: {  	_ =	shalt  }
.Lfunc_end0:
.L_simem_size_0:
called_computation_lowered:
.L_overlay_start_0:
0x88: {  	s2 =	sld [smem:$0x3FD9]  }
0x89: {  	s3 =	sld [smem:$0x3FFE];
	_ =	sdelay $0x1  }
0x8a: {  	s1 =	srdreg.scid  }
0x8b: {  	s0 =	sand.u32 $0x1, s1  }
0x8c: {  	s14 =	sshll.u32 s0, $0xA;
	s2 =	sadd.s32 s3, s2  }
0x8d: {  	s2 =	sadd.s32 s2, s14  }
0x8e: {  	[smem:$0x3FBC] =	sst s2  }
0x8f: {  	_ = 	snop  }
0x90: {  	s2 =	sld [smem:$0x3FD0];
	_ =	sdelay $0x2  }
0x91: {  	s15 =	simm.s32 $0xA;
	s4 =	simm.s32 $0x10  }
0x92: {  	[smem:s4], [sflag:s15] =	dma.local [hbm:s2], $0x1  }
0x93: {  	_ =	swait.eq [sflag:s15], $0x1  }
0x94: {  	[sflag:s15] =	ssyncset.done $0x0  }
0x95: {  	[sflag:s15] =	ssyncadd.s32 $0xFFFFFFFF  }
0x96: {  	s16 =	sld [smem:$0x10];
	(tm) =	ssettm $0x1  }
0x97: {  	s17 =	sld [smem:$0x3FFB];
	_ =	sdelay $0x3  }
0x98: {  	_ =	strace s17  }
0x99: {  	s3 =	sld [smem:$0x3FFC];
	_ =	sdelay $0x3  }
0x9a: {  	_ =	strace s3  }
0x9b: {  	s3 =	sld [smem:$0x3FFD];
	_ =	sdelay $0x3  }
0x9c: {  	_ =	strace s3  }
0x9d: {  	_ =	strace $0x8FFFFFFF  }
0x9e: {  	s18 =	sld [smem:$0x3FDB];
	_ =	sdelay $0x1  }
0x9f: {  	s19 =	simm.s32 $_scs_section_size  }
0xa0: {  	s5 =	simm.s32 $_size__tile_overlayer_lowered;
	s6 =	simm.s32 $_tile_overlayer_lowered  }
0xa1: {  	s22 =	simm.s32 $0x1BFF;
	s21 =	sshll.u32 s6, $0x1;
	s3 =	sadd.s32 s19, s18  }
0xa2: {  	s7 =	simm.s32 $0x0;
	s20 =	sshll.u32 s5, $0x1;
	s5 =	sadd.s32 s21, s3  }
0xa3: {  	[timem:s7], [sflag:s22] =	dma.local [hbm:s5], s20  }
0xa4: {  	_ =	swait.ge [sflag:s22], s20  }
0xa5: {  	s4 =	ssub.s32 $0x0, s20;
	[sflag:s22] =	ssyncset.done $0x0  }
0xa6: {  	[sflag:s22] =	ssyncadd.s32 s4;
	_ =	sdelay $0x1  }
0xa7: {  	s23 =	simm.s32 $0x1B8B  }
0xa8: {  	_ =	swait.ge [sflag:s23], $0x1  }
0xa9: {  	[sflag:s23] =	ssyncset.done $0x0  }
0xaa: {  	s25 =	simm.s32 $0x1B8E;
	s24 =	sld [smem:$0x3FFE];
	[sflag:s23] =	ssyncadd.s32 $0xFFFFFFFF  }
0xab: {  	s26 =	simm.s32 $execute0_lowered;
	[smem:$0x3FD2] =	sst s25  }
0xac: {  	s5 =	sshll.u32 s26, $0x1;
	_ =	strace $0x80000046;
	[dreg:$0x1] =	wrdreg $0xFFFFFFFF  }
0xad: {  	s28 =	simm.s32 $_size_execute0_lowered;
	s3 =	sadd.s32 s3, s5;
	[dreg:$0x0] =	wrdreg $0x0  }
0xae: {  	s5 =	sshll.u32 s28, $0x1;
	[dreg:$0x2] =	wrdreg s3  }
0xaf: {  	[dreg:$0x3] =	wrdreg s5  }
0xb0: {  	[dreg:$0x4] =	wrdreg $0xC0  }
0xb1: {  	_ =	task [dreg:s7], $0x5FFFF  }
0xb2: {  	[dreg:$0x1] =	wrdreg $0xFFFFFFFF  }
0xb3: {  	[dreg:$0x0] =	wrdreg $0x60  }
0xb4: {  	[dreg:$0x2] =	wrdreg s24  }
0xb5: {  	[dreg:$0x3] =	wrdreg s16  }
0xb6: {  	[dreg:$0x4] =	wrdreg $0x9  }
0xb7: {  	_ =	task.clear_ibuf [dreg:s7], $0x5FFFF;
	_ =	strace $0x90000046  }
0xb8: {  	s29 =	simm.s32 $0x9;
	_ =	strace $0x80000048  }
0xb9: {  	_ =	swait.ge [sflag:s29], $0x1  }
0xba: {  	[sflag:s29] =	ssyncadd.s32 $0xFFFFFFFF  }
0xbb: {  	_ =	strace $0x90000048  }
0xbc: {  	_ =	sfence  }
0xbd: {  	s30 =	sld [smem:$0x0];
	_ =	sdelay $0x2  }
0xbe: {  	s31 =	sshll.u32 s1, $0xD;
	s1 =	sshrl.u32 s1, $0x2  }
0xbf: {  	s3 =	sand.u32 $0x4000, s31;
	s1 =	sadd.s32 s1, s30  }
0xc0: {  	s0 =	sor.u32 s3, s0;
	s1 =	sshll.u32 s1, $0x11  }
0xc1: {  	s0 =	sor.u32 s1, s0  }
0xc2: {  	s0 =	sadd.s32 $0x8F2B, s0  }
0xc3: {  	[sflag:s0] =	ssyncadd.remote.s32 $0x1  }
0xc4: {  	_ =	sfence.sel $0xFFFF  }
0xc5: {  	[dreg:$0x0] =	wrdreg $0xFFFFFFFF;
	(pc) =	sbr.abs _section_cstart, $3  }
0xc6: {  	[dreg:$0x1] =	wrdreg $0xFFFFFFFF  }
0xc7: {  	_ =	task.clear_ibuf [dreg:s7], $0x2FFFF;
	_ =	strace $0x9FFFFFFF  }
0xc8: {  	(tm) =	ssettm $0x7FFFFFFF  }
0xc9: {  	_ =	shalt  }
tec
execute0_lowered:
.L_overlay_start_1:
0x0: {  	(tag) =	ssettag $0x1  }
0x1: {  	s0 =	rddreg [dreg:$0x0]  }
0x2: {  	s5 =	rddreg [dreg:$0x1];
	s2 =	simm.s32 $0x0;
	s1 =	stileid.u32  }
0x3: {  	s3 =	srdreg.scid;
	s12 =	simm.s32 $0x7D00;
	s13 =	simm.s32 $0xBD00  }
0x4: {  	s14 =	simm.s32 $0x2;
	s15 =	simm.s32 $0x40;
	s16 =	simm.s32 $0x10  }
0x5: {  	s17 =	simm.s32 $0x9D00;
	s18 =	simm.s32 $0xC500;
	s19 =	simm.s32 $0x3  }
0x6: {  	s20 =	simm.s32 $0x4;
	s21 =	simm.s32 $0x6;
	s22 =	simm.s32 $0x5  }
0x7: {  	s23 =	simm.s32 $0x7;
	s24 =	simm.s32 $0x0;
	s6 =	smul.u32 $0x640, s1  }
0x8: {  	[smem:$0x7FF] =	sst s2;
	s4 =	sand.u32 $0x1, s3;
	s7 =	smul.u32 $0x32000, s1  }
0x9: {  	s3 =	sadd.s32 $0x1C00, s0;
	_ =	strace $0x80000047;
	s11 =	smul.u32 $0x320, s4  }
0xa: {  	v0 =	vlaneseq.u32;
	s8 =	ssub.s32 $0x2, s4;
	s29 =	smul.u32 $0x19000, s4;
	s9 =	sadd.s32 s6, s0  }
0xb: {  	v0 =	vmul.u32 $0x10, v0;
	s10 =	sshrl.u32 s8, $0x1;
	s0 =	sadd.s32 s7, s0;
	s31 =	sadd.s32 s6, s5  }
0xc: {  	s28 =	ssub.s32 s8, s10;
	s9 =	sadd.s32 s11, s9;
	s0 =	sadd.s32 s29, s0  }
0xd: {  	v2 =	vor.u32 $0x100, v0;
	v3 =	vor.u32 $0x200, v0;
	s7 =	sadd.s32 s11, s31;
	s10 =	simm.s32 $0x1;
	s11 =	simm.s32 $0x80  }
0xe: {  	v4 =	vor.u32 $0x300, v0;
	v5 =	vor.u32 $0x400, v0;
	v6 =	vor.u32 $0x500, v0;
	s30 =	smax.u32 s28, $0x1;
	s5 =	sadd.s32 $0x7B6400, s9;
	s6 =	sadd.s32 $0x7B0000, s9  }
0xf: {  	v1 =	vimm.s32 $0x0;
	v7 =	vor.u32 $0x600, v0;
	v8 =	vor.u32 $0x700, v0;
	s8 =	sadd.s32 $0x7A9C00, s9;
	s9 =	sadd.s32 $0x7BC800, s0;
	[dreg:$0x3] =	wrdreg s30  }
.LBB2_1:
0x10: {  	s0 =	simm.s32 $0x0  }
0x11: {  	[tilespmem:s0], [sflag:$0x1] =	stream.linear.gather [hbm4b:s7+s2], $0xC8, $0x38;
	[tilespmem:$0xCD00] =	vst v63  }
0x12: {  	s25 =	simm.s32 $0x1900;
	s26 =	simm.s32 $0x3200;
	s28 =	sadd.s32 $0x19, s8  }
0x13: {  	[tilespmem:s25], [sflag:$0x1] =	stream.linear.gather [hbm4b:s5+s2], $0xC8, $0x38;
	[tilespmem:$0xCD00] =	vst v63  }
0x14: {  	s29 =	sadd.s32 $0x19, s7;
	s30 =	sadd.s32 $0x19, s5;
	s31 =	smov.u32 s8  }
0x15: {  	[tilespmem:s26], [sflag:$0x1] =	stream.linear.gather [hbm4b:s6+s2], $0xC8, $0x38;
	[tilespmem:$0xCD00] =	vst v63  }
0x16: {  	s0 =	simm.s32 $0x4B00;
	s25 =	simm.s32 $0x320;
	s26 =	sadd.s32 $0x19, s6  }
.LBB2_2:
0x17: {  	[tilespmem:s0], [sflag:$0x1] =	stream.linear.gather [hbm4b:s31+s2], $0xC8, $0x38;
	[tilespmem:$0xCD00] =	vst v63  }
0x18: {  	s0 =	smov.u32 s26;
	s31 =	smov.u32 s28  }
0x19: {  	s1 =	sshra.s32 s25, $0x2;
	p0 =	sne.s32 s25, $0x60E0;
	s25 =	sadd.s32 $0x320, s25  }
0x1a: {  	[tilespmem:s1], [sflag:$0x1] =	stream.linear.gather [hbm4b:s29+s2], $0xC8, $0x38;
	[tilespmem:$0xCD00] =	vst v63  }
.Ltmp0:
0x1b: {  	s4 =	sadd.s32 $0x1900, s1;
	(pc) =	sbr.rel @p0 .LBB2_2-.Ltmp0, $4  }
0x1c: {  	[tilespmem:s4], [sflag:$0x1] =	stream.linear.gather [hbm4b:s30+s2], $0xC8, $0x38;
	[tilespmem:$0xCD00] =	vst v63  }
0x1d: {  	s26 =	sadd.s32 $0x19, s26;
	s28 =	sadd.s32 $0x19, s28;
	s4 =	sadd.s32 $0x3200, s1  }
0x1e: {  	[tilespmem:s4], [sflag:$0x1] =	stream.linear.gather [hbm4b:s0+s2], $0xC8, $0x38;
	[tilespmem:$0xCD00] =	vst v63  }
0x1f: {  	s29 =	sadd.s32 $0x19, s29;
	s30 =	sadd.s32 $0x19, s30;
	s0 =	sadd.s32 $0x4B00, s1  }
0x20: {  	[tilespmem:s0], [sflag:$0x1] =	stream.linear.gather [hbm4b:s31+s2], $0xC8, $0x38;
	[tilespmem:$0xCD00] =	vst v63  }
0x21: {  	_ =	swait.ge [sflag:s10], $0xC8  }
0x22: {  	[sflag:s10] =	ssyncset.done $0x0  }
0x23: {  	[sflag:s10] =	ssyncadd.s32 $0xFFFFFF38  }
0x24: {  	_ =	swait.ge [sflag:s10], $0xC8  }
0x25: {  	[sflag:s10] =	ssyncset.done $0x0  }
0x26: {  	[sflag:s10] =	ssyncadd.s32 $0xFFFFFF38  }
0x27: {  	_ =	swait.ge [sflag:s10], $0xC8  }
0x28: {  	[sflag:s10] =	ssyncset.done $0x0  }
0x29: {  	[sflag:s10] =	ssyncadd.s32 $0xFFFFFF38  }
0x2a: {  	_ =	swait.ge [sflag:s10], $0xC8  }
0x2b: {  	s25 =	simm.s32 $0x1F;
	[sflag:s10] =	ssyncset.done $0x0  }
.LBB2_4:
0x2c: {  	p0 =	sne.s32 s25, $0x1;
	s25 =	sadd.s32 $0xFFFFFFFF, s25;
	[sflag:s10] =	ssyncadd.s32 $0xFFFFFF38  }
0x2d: {  	_ =	swait.ge [sflag:s10], $0xC8  }
0x2e: {  	[sflag:s10] =	ssyncset.done $0x0  }
0x2f: {  	[sflag:s10] =	ssyncadd.s32 $0xFFFFFF38  }
0x30: {  	_ =	swait.ge [sflag:s10], $0xC8  }
0x31: {  	[sflag:s10] =	ssyncset.done $0x0  }
0x32: {  	[sflag:s10] =	ssyncadd.s32 $0xFFFFFF38  }
.Ltmp1:
0x33: {  	_ =	swait.ge [sflag:s10], $0xC8;
	(pc) =	sbr.rel @p0 .LBB2_4-.Ltmp1, $4  }
0x34: {  	[sflag:s10] =	ssyncset.done $0x0  }
0x35: {  	[sflag:s10] =	ssyncadd.s32 $0xFFFFFF38  }
0x36: {  	_ =	swait.ge [sflag:s10], $0xC8  }
0x37: {  	[sflag:s10] =	ssyncset.done $0x0  }
0x38: {  	[sflag:s10] =	ssyncadd.s32 $0xFFFFFF38;
	s25 =	simm.s32 $0x0  }
0x39: {  	v9 =	vld [tilespmem:s25+$0x0];
	_ =	sdelay $0x4  }
0x3a: {  	v11 =	vld [tilespmem:s25+$0x1900];
	vm0 =	veq.s32 v9, $0x0  }
0x3b: {  	v13 =	vld [tilespmem:s25+$0x3200];
	v10 =	vshll.u32 v9, $0x1;
	v12 =	vand.u32 $0xFFFFF000, v9;
	v9 =	vshrl.u32 v9, $0xB  }
0x3c: {  	v15 =	vand.u32 $0x1, v9;
	v9 =	vld [tilespmem:s25+$0x4B00];
	_ =	sdelay $0x1  }
0x3d: {  	v14 =	vand.u32 $0xFFE, v10  }
0x3e: {  	v10 =	vsel vm0, $0x1, v1;
	v14 =	vor.u32 v12, v14  }
0x3f: {  	s28 =	simm.s32 $0x40;
	s26 =	simm.s32 $0x80;
	v12 =	vshll.u32 v11, $0x9;
	v11 =	vshll.u32 v13, $0x5;
	v13 =	vor.u32 v15, v14  }
.LBB2_6:
0x40: {  	p0 =	sne.s32 s26, $0x63C0;
	s0 =	sshra.s32 s28, $0x2;
	v9 =	vshll.u32 v9, $0x1;
	v10 =	vor.u32 v10, v12;
	[tilespmem:s25+$0x0] =	vst v13;
	s28 =	smov.u32 s26  }
0x41: {  	v12 =	vld [tilespmem:s0+$0x0];
	v10 =	vor.u32 v11, v10  }
0x42: {  	v11 =	vld [tilespmem:s0+$0x1900];
	v9 =	vor.u32 v9, v10  }
0x43: {  	v13 =	vld [tilespmem:s0+$0x3200];
	[tilespmem:s25+$0x6400] =	vst v9;
	s25 =	smov.u32 s0  }
0x44: {  	v9 =	vld [tilespmem:s25+$0x4B00]  }
.Ltmp2:
0x45: {  	(pc) =	sbr.rel @p0 .LBB2_6-.Ltmp2, $4  }
0x46: {  	vm0 =	veq.s32 v12, $0x0;
	v10 =	vshll.u32 v12, $0x1  }
0x47: {  	v14 =	vand.u32 $0xFFFFF000, v12;
	v12 =	vshrl.u32 v12, $0xB;
	v15 =	vand.u32 $0xFFE, v10  }
0x48: {  	v10 =	vsel vm0, $0x1, v1;
	v14 =	vor.u32 v14, v15;
	v15 =	vand.u32 $0x1, v12  }
0x49: {  	s26 =	sadd.s32 $0x40, s26;
	v12 =	vshll.u32 v11, $0x9;
	v11 =	vshll.u32 v13, $0x5;
	v13 =	vor.u32 v15, v14  }
0x4a: {  	s0 =	sshra.s32 s28, $0x2;
	[tilespmem:s25+$0x0] =	vst v13  }
0x4b: {  	v10 =	vor.u32 v10, v12;
	v62 =	vld [tilespmem:s0+$0x0]  }
0x4c: {  	v9 =	vshll.u32 v9, $0x1;
	v10 =	vor.u32 v11, v10;
	v11 =	vld [tilespmem:s0+$0x1900]  }
0x4d: {  	v9 =	vor.u32 v9, v10  }
0x4e: {  	v10 =	vld [tilespmem:s0+$0x3200];
	[tilespmem:s25+$0x6400] =	vst v9  }
0x4f: {  	v9 =	vld [tilespmem:s0+$0x4B00]  }
0x50: {  	vm0 =	veq.s32 v62, $0x0;
	v63 =	vshll.u32 v62, $0x1  }
0x51: {  	v14 =	vand.u32 $0xFFFFF000, v62;
	v12 =	vshrl.u32 v62, $0xB;
	v11 =	vshll.u32 v11, $0x9  }
0x52: {  	v13 =	vand.u32 $0xFFE, v63;
	v15 =	vsel vm0, $0x1, v1;
	v12 =	vand.u32 $0x1, v12  }
0x53: {  	v10 =	vshll.u32 v10, $0x5;
	v13 =	vor.u32 v14, v13;
	v11 =	vor.u32 v15, v11  }
0x54: {  	v12 =	vor.u32 v12, v13;
	v9 =	vshll.u32 v9, $0x1;
	v10 =	vor.u32 v10, v11  }
0x55: {  	p0 =	por $0x1, $0x1;
	[tilespmem:s0+$0x0] =	vst v12;
	v9 =	vor.u32 v9, v10  }
0x56: {  	[tilespmem:s0+$0x6400] =	vst v9;
	s0 =	simm.s32 @!p0 $0x4  }
0x57: {  	_ =	swait.ge @!p0 [sflag:s0], $0x2000  }
0x58: {  	[sflag:s0] =	ssyncset.done @!p0 $0x0  }
0x59: {  	[sflag:s0] =	ssyncadd.s32 @!p0 $0xFFFFE000;
	s0 =	simm.s32 @!p0 $0x6  }
0x5a: {  	_ =	swait.ge @!p0 [sflag:s0], $0x800  }
0x5b: {  	[sflag:s0] =	ssyncset.done @!p0 $0x0  }
0x5c: {  	s1 =	simm.s32 $0x6480;
	s26 =	simm.s32 $0x0;
	[sflag:s0] =	ssyncadd.s32 @!p0 $0xFFFFF800  }
0x5d: {  	[tilespmem:s12], [sflag:$0x2] =	stream.indirect.gather [hbm4b:s3+s11], $0x40, s26, s11, $0xb8;
	[tilespmem:$0xCD00] =	vst v63  }
0x5e: {  	v9 =	vld [tilespmem:s1+$0xFFFFFF80];
	_ =	sdelay $0x4  }
0x5f: {  	[tilespmem:v0+s13+$0x0] =	vst.idx.msk $0xffff, v9  }
0x60: {  	v9 =	vld [tilespmem:s1+$0xFFFFFF90];
	_ =	sdelay $0x4  }
0x61: {  	[tilespmem:v2+s13+$0x0] =	vst.idx.msk $0xffff, v9  }
0x62: {  	v9 =	vld [tilespmem:s1+$0xFFFFFFA0];
	_ =	sdelay $0x4  }
0x63: {  	[tilespmem:v3+s13+$0x0] =	vst.idx.msk $0xffff, v9  }
0x64: {  	v9 =	vld [tilespmem:s1+$0xFFFFFFB0];
	_ =	sdelay $0x4  }
0x65: {  	[tilespmem:v4+s13+$0x0] =	vst.idx.msk $0xffff, v9  }
0x66: {  	v9 =	vld [tilespmem:s1+$0xFFFFFFC0];
	_ =	sdelay $0x4  }
0x67: {  	[tilespmem:v5+s13+$0x0] =	vst.idx.msk $0xffff, v9  }
0x68: {  	v9 =	vld [tilespmem:s1+$0xFFFFFFD0];
	_ =	sdelay $0x4  }
0x69: {  	[tilespmem:v6+s13+$0x0] =	vst.idx.msk $0xffff, v9  }
0x6a: {  	v9 =	vld [tilespmem:s1+$0xFFFFFFE0];
	_ =	sdelay $0x4  }
0x6b: {  	[tilespmem:v7+s13+$0x0] =	vst.idx.msk $0xffff, v9  }
0x6c: {  	v9 =	vld [tilespmem:s1+$0xFFFFFFF0];
	_ =	sdelay $0x4  }
0x6d: {  	[tilespmem:v8+s13+$0x0] =	vst.idx.msk $0xffff, v9  }
0x6e: {  	_ =	swait.ge [sflag:s14], $0x2000  }
0x6f: {  	[sflag:s14] =	ssyncset.done $0x0  }
0x70: {  	s30 =	sadd.s32 $0x0, s9;
	[sflag:s14] =	ssyncadd.s32 $0xFFFFE000  }
0x71: {  	[hbm4b:s30+s15] =	stream.strided.scatter [tilespmem:s12], [sflag:$0x4], $0x2000, s11, s15, $0x38;
	[tilespmem:$0xCD00] =	vst v63  }
0x72: {  	s4 =	sadd.s32 $0x8, s30;
	s25 =	simm.s32 @!p0 $0x5  }
0x73: {  	[hbm4b:s4+s16] =	stream.strided.scatter [tilespmem:s13], [sflag:$0x6], $0x800, s11, s16, $0x38;
	[tilespmem:$0xCD00] =	vst v63  }
0x74: {  	_ =	swait.ge @!p0 [sflag:s25], $0x2000  }
0x75: {  	[sflag:s25] =	ssyncset.done @!p0 $0x0  }
0x76: {  	s4 =	simm.s32 @!p0 $0x7;
	[sflag:s25] =	ssyncadd.s32 @!p0 $0xFFFFE000  }
0x77: {  	_ =	swait.ge @!p0 [sflag:s4], $0x800  }
0x78: {  	[sflag:s4] =	ssyncset.done @!p0 $0x0  }
0x79: {  	s26 =	simm.s32 $0x80;
	[sflag:s4] =	ssyncadd.s32 @!p0 $0xFFFFF800  }
0x7a: {  	[tilespmem:s17], [sflag:$0x3] =	stream.indirect.gather [hbm4b:s3+s11], $0x40, s26, s11, $0xb8;
	[tilespmem:$0xCD00] =	vst v63  }
0x7b: {  	v9 =	vld [tilespmem:s1+$0x0];
	_ =	sdelay $0x4  }
0x7c: {  	[tilespmem:v0+s18+$0x0] =	vst.idx.msk $0xffff, v9  }
0x7d: {  	v9 =	vld [tilespmem:s1+$0x10];
	_ =	sdelay $0x4  }
0x7e: {  	[tilespmem:v2+s18+$0x0] =	vst.idx.msk $0xffff, v9  }
0x7f: {  	v9 =	vld [tilespmem:s1+$0x20];
	_ =	sdelay $0x4  }
0x80: {  	[tilespmem:v3+s18+$0x0] =	vst.idx.msk $0xffff, v9  }
0x81: {  	v9 =	vld [tilespmem:s1+$0x30];
	_ =	sdelay $0x4  }
0x82: {  	[tilespmem:v4+s18+$0x0] =	vst.idx.msk $0xffff, v9  }
0x83: {  	v9 =	vld [tilespmem:s1+$0x40];
	_ =	sdelay $0x4  }
0x84: {  	[tilespmem:v5+s18+$0x0] =	vst.idx.msk $0xffff, v9  }
0x85: {  	v9 =	vld [tilespmem:s1+$0x50];
	_ =	sdelay $0x4  }
0x86: {  	[tilespmem:v6+s18+$0x0] =	vst.idx.msk $0xffff, v9  }
0x87: {  	v9 =	vld [tilespmem:s1+$0x60];
	_ =	sdelay $0x4  }
0x88: {  	[tilespmem:v7+s18+$0x0] =	vst.idx.msk $0xffff, v9  }
0x89: {  	v9 =	vld [tilespmem:s1+$0x70];
	_ =	sdelay $0x4  }
0x8a: {  	[tilespmem:v8+s18+$0x0] =	vst.idx.msk $0xffff, v9  }
0x8b: {  	s28 =	simm.s32 $0x1000;
	s29 =	simm.s32 $0x2000;
	_ =	swait.ge [sflag:s19], $0x2000  }
0x8c: {  	p1 =	por $0x0, $0x0;
	s31 =	sadd.s32 $0x800, s30;
	[sflag:s19] =	ssyncset.done $0x0  }
0x8d: {  	s0 =	sadd.s32 $0x808, s30;
	s25 =	simm.s32 $0x6580;
	[sflag:s19] =	ssyncadd.s32 $0xFFFFE000  }
0x8e: {  	[hbm4b:s31+s15] =	stream.strided.scatter [tilespmem:s17], [sflag:$0x5], $0x2000, s11, s15, $0x38;
	[tilespmem:$0xCD00] =	vst v63  }
.LBB2_8:
0x8f: {  	s1 =	simm.s32 @!p1 $0x4  }
0x90: {  	s26 =	sadd.s32 $0x100, s26;
	s31 =	smov.u32 s29;
	s29 =	sadd.s32 $0x1000, s29  }
0x91: {  	[hbm4b:s0+s16] =	stream.strided.scatter [tilespmem:s18], [sflag:$0x7], $0x800, s11, s16, $0x38;
	[tilespmem:$0xCD00] =	vst v63  }
0x92: {  	p0 =	sne.s32 s29, $0x19000;
	_ =	swait.ge @!p1 [sflag:s1], $0x2000  }
0x93: {  	[sflag:s1] =	ssyncset.done @!p1 $0x0  }
0x94: {  	s0 =	simm.s32 @!p1 $0x6;
	[sflag:s1] =	ssyncadd.s32 @!p1 $0xFFFFE000  }
0x95: {  	_ =	swait.ge @!p1 [sflag:s0], $0x800  }
0x96: {  	[sflag:s0] =	ssyncset.done @!p1 $0x0  }
0x97: {  	[sflag:s0] =	ssyncadd.s32 @!p1 $0xFFFFF800;
	s0 =	sadd.s32 $0xFFFFFF80, s26  }
0x98: {  	[tilespmem:s12], [sflag:$0x2] =	stream.indirect.gather [hbm4b:s3+s11], $0x40, s0, s11, $0xb8;
	[tilespmem:$0xCD00] =	vst v63  }
0x99: {  	v9 =	vld [tilespmem:s25+$0xFFFFFF80];
	_ =	sdelay $0x4  }
0x9a: {  	[tilespmem:v0+s13+$0x0] =	vst.idx.msk $0xffff, v9  }
0x9b: {  	v9 =	vld [tilespmem:s25+$0xFFFFFF90];
	_ =	sdelay $0x4  }
0x9c: {  	[tilespmem:v2+s13+$0x0] =	vst.idx.msk $0xffff, v9  }
0x9d: {  	v9 =	vld [tilespmem:s25+$0xFFFFFFA0];
	_ =	sdelay $0x4  }
0x9e: {  	[tilespmem:v3+s13+$0x0] =	vst.idx.msk $0xffff, v9  }
0x9f: {  	v9 =	vld [tilespmem:s25+$0xFFFFFFB0];
	_ =	sdelay $0x4  }
0xa0: {  	[tilespmem:v4+s13+$0x0] =	vst.idx.msk $0xffff, v9  }
0xa1: {  	v9 =	vld [tilespmem:s25+$0xFFFFFFC0];
	_ =	sdelay $0x4  }
0xa2: {  	[tilespmem:v5+s13+$0x0] =	vst.idx.msk $0xffff, v9  }
0xa3: {  	v9 =	vld [tilespmem:s25+$0xFFFFFFD0];
	_ =	sdelay $0x4  }
0xa4: {  	[tilespmem:v6+s13+$0x0] =	vst.idx.msk $0xffff, v9  }
0xa5: {  	v9 =	vld [tilespmem:s25+$0xFFFFFFE0];
	_ =	sdelay $0x4  }
0xa6: {  	[tilespmem:v7+s13+$0x0] =	vst.idx.msk $0xffff, v9  }
0xa7: {  	v9 =	vld [tilespmem:s25+$0xFFFFFFF0];
	_ =	sdelay $0x4  }
0xa8: {  	[tilespmem:v8+s13+$0x0] =	vst.idx.msk $0xffff, v9  }
0xa9: {  	_ =	swait.ge [sflag:s14], $0x2000  }
0xaa: {  	[sflag:s14] =	ssyncset.done $0x0  }
0xab: {  	s30 =	sadd.s32 s28, s9;
	s28 =	smov.u32 s31;
	[sflag:s14] =	ssyncadd.s32 $0xFFFFE000  }
0xac: {  	[hbm4b:s30+s15] =	stream.strided.scatter [tilespmem:s12], [sflag:$0x4], $0x2000, s11, s15, $0x38;
	[tilespmem:$0xCD00] =	vst v63  }
0xad: {  	s1 =	simm.s32 @!p1 $0x5;
	s0 =	sadd.s32 $0x8, s30  }
0xae: {  	[hbm4b:s0+s16] =	stream.strided.scatter [tilespmem:s13], [sflag:$0x6], $0x800, s11, s16, $0x38;
	[tilespmem:$0xCD00] =	vst v63  }
0xaf: {  	_ =	swait.ge @!p1 [sflag:s1], $0x2000  }
0xb0: {  	[sflag:s1] =	ssyncset.done @!p1 $0x0  }
0xb1: {  	s0 =	simm.s32 @!p1 $0x7;
	[sflag:s1] =	ssyncadd.s32 @!p1 $0xFFFFE000  }
0xb2: {  	_ =	swait.ge @!p1 [sflag:s0], $0x800  }
0xb3: {  	[sflag:s0] =	ssyncset.done @!p1 $0x0  }
0xb4: {  	[sflag:s0] =	ssyncadd.s32 @!p1 $0xFFFFF800  }
0xb5: {  	[tilespmem:s17], [sflag:$0x3] =	stream.indirect.gather [hbm4b:s3+s11], $0x40, s26, s11, $0xb8;
	[tilespmem:$0xCD00] =	vst v63  }
0xb6: {  	v9 =	vld [tilespmem:s25+$0x0];
	_ =	sdelay $0x4  }
0xb7: {  	[tilespmem:v0+s18+$0x0] =	vst.idx.msk $0xffff, v9  }
0xb8: {  	v9 =	vld [tilespmem:s25+$0x10];
	_ =	sdelay $0x4  }
0xb9: {  	[tilespmem:v2+s18+$0x0] =	vst.idx.msk $0xffff, v9  }
0xba: {  	v9 =	vld [tilespmem:s25+$0x20];
	_ =	sdelay $0x4  }
0xbb: {  	[tilespmem:v3+s18+$0x0] =	vst.idx.msk $0xffff, v9  }
0xbc: {  	v9 =	vld [tilespmem:s25+$0x30];
	_ =	sdelay $0x4  }
0xbd: {  	[tilespmem:v4+s18+$0x0] =	vst.idx.msk $0xffff, v9  }
0xbe: {  	v9 =	vld [tilespmem:s25+$0x40];
	_ =	sdelay $0x4  }
0xbf: {  	[tilespmem:v5+s18+$0x0] =	vst.idx.msk $0xffff, v9  }
0xc0: {  	v9 =	vld [tilespmem:s25+$0x50];
	_ =	sdelay $0x4  }
0xc1: {  	[tilespmem:v6+s18+$0x0] =	vst.idx.msk $0xffff, v9  }
0xc2: {  	v9 =	vld [tilespmem:s25+$0x60];
	_ =	sdelay $0x4  }
0xc3: {  	[tilespmem:v7+s18+$0x0] =	vst.idx.msk $0xffff, v9  }
0xc4: {  	v9 =	vld [tilespmem:s25+$0x70];
	_ =	sdelay $0x4  }
.Ltmp3:
0xc5: {  	[tilespmem:v8+s18+$0x0] =	vst.idx.msk $0xffff, v9;
	(pc) =	sbr.rel @p0 .LBB2_8-.Ltmp3, $4  }
0xc6: {  	_ =	swait.ge [sflag:s19], $0x2000  }
0xc7: {  	s0 =	sadd.s32 $0x808, s30;
	s25 =	sadd.s32 $0x100, s25;
	[sflag:s19] =	ssyncset.done $0x0  }
0xc8: {  	s1 =	sadd.s32 $0x800, s30;
	p1 =	seq.s32 s28, $0x0;
	[sflag:s19] =	ssyncadd.s32 $0xFFFFE000  }
0xc9: {  	[hbm4b:s1+s15] =	stream.strided.scatter [tilespmem:s17], [sflag:$0x5], $0x2000, s11, s15, $0x38;
	[tilespmem:$0xCD00] =	vst v63  }
0xca: {  	s1 =	simm.s32 @!p1 $0x4  }
0xcb: {  	[hbm4b:s0+s16] =	stream.strided.scatter [tilespmem:s18], [sflag:$0x7], $0x800, s11, s16, $0x38;
	[tilespmem:$0xCD00] =	vst v63  }
0xcc: {  	_ =	swait.ge @!p1 [sflag:s1], $0x2000  }
0xcd: {  	[sflag:s1] =	ssyncset.done @!p1 $0x0  }
0xce: {  	s0 =	simm.s32 @!p1 $0x6;
	[sflag:s1] =	ssyncadd.s32 @!p1 $0xFFFFE000  }
0xcf: {  	_ =	swait.ge @!p1 [sflag:s0], $0x800  }
0xd0: {  	s31 =	sadd.s32 $0x100, s26;
	[sflag:s0] =	ssyncset.done @!p1 $0x0  }
0xd1: {  	s26 =	sadd.s32 $0xFFFFFF80, s31;
	[sflag:s0] =	ssyncadd.s32 @!p1 $0xFFFFF800  }
0xd2: {  	[tilespmem:s12], [sflag:$0x2] =	stream.indirect.gather [hbm4b:s3+s11], $0x40, s26, s11, $0xb8;
	[tilespmem:$0xCD00] =	vst v63  }
0xd3: {  	v9 =	vld [tilespmem:s25+$0xFFFFFF80];
	_ =	sdelay $0x4  }
0xd4: {  	[tilespmem:v0+s13+$0x0] =	vst.idx.msk $0xffff, v9  }
0xd5: {  	v9 =	vld [tilespmem:s25+$0xFFFFFF90];
	_ =	sdelay $0x4  }
0xd6: {  	[tilespmem:v2+s13+$0x0] =	vst.idx.msk $0xffff, v9  }
0xd7: {  	v9 =	vld [tilespmem:s25+$0xFFFFFFA0];
	_ =	sdelay $0x4  }
0xd8: {  	[tilespmem:v3+s13+$0x0] =	vst.idx.msk $0xffff, v9  }
0xd9: {  	v9 =	vld [tilespmem:s25+$0xFFFFFFB0];
	_ =	sdelay $0x4  }
0xda: {  	[tilespmem:v4+s13+$0x0] =	vst.idx.msk $0xffff, v9  }
0xdb: {  	v9 =	vld [tilespmem:s25+$0xFFFFFFC0];
	_ =	sdelay $0x4  }
0xdc: {  	[tilespmem:v5+s13+$0x0] =	vst.idx.msk $0xffff, v9  }
0xdd: {  	v9 =	vld [tilespmem:s25+$0xFFFFFFD0];
	_ =	sdelay $0x4  }
0xde: {  	[tilespmem:v6+s13+$0x0] =	vst.idx.msk $0xffff, v9  }
0xdf: {  	v9 =	vld [tilespmem:s25+$0xFFFFFFE0];
	_ =	sdelay $0x4  }
0xe0: {  	[tilespmem:v7+s13+$0x0] =	vst.idx.msk $0xffff, v9  }
0xe1: {  	v9 =	vld [tilespmem:s25+$0xFFFFFFF0];
	_ =	sdelay $0x4  }
0xe2: {  	[tilespmem:v8+s13+$0x0] =	vst.idx.msk $0xffff, v9  }
0xe3: {  	_ =	swait.ge [sflag:s14], $0x2000  }
0xe4: {  	[sflag:s14] =	ssyncset.done $0x0  }
0xe5: {  	s29 =	sadd.s32 s28, s9;
	[sflag:s14] =	ssyncadd.s32 $0xFFFFE000  }
0xe6: {  	[hbm4b:s29+s15] =	stream.strided.scatter [tilespmem:s12], [sflag:$0x4], $0x2000, s11, s15, $0x38;
	[tilespmem:$0xCD00] =	vst v63  }
0xe7: {  	s4 =	sadd.s32 $0x8, s29;
	s26 =	simm.s32 @!p1 $0x5  }
0xe8: {  	[hbm4b:s4+s16] =	stream.strided.scatter [tilespmem:s13], [sflag:$0x6], $0x800, s11, s16, $0x38;
	[tilespmem:$0xCD00] =	vst v63  }
0xe9: {  	_ =	swait.ge @!p1 [sflag:s26], $0x2000  }
0xea: {  	[sflag:s26] =	ssyncset.done @!p1 $0x0  }
0xeb: {  	s4 =	simm.s32 @!p1 $0x7;
	[sflag:s26] =	ssyncadd.s32 @!p1 $0xFFFFE000  }
0xec: {  	_ =	swait.ge @!p1 [sflag:s4], $0x800  }
0xed: {  	[sflag:s4] =	ssyncset.done @!p1 $0x0  }
0xee: {  	[sflag:s4] =	ssyncadd.s32 @!p1 $0xFFFFF800  }
0xef: {  	[tilespmem:s17], [sflag:$0x3] =	stream.indirect.gather [hbm4b:s3+s11], $0x40, s31, s11, $0xb8;
	[tilespmem:$0xCD00] =	vst v63  }
0xf0: {  	v9 =	vld [tilespmem:s25+$0x0];
	_ =	sdelay $0x4  }
0xf1: {  	[tilespmem:v0+s18+$0x0] =	vst.idx.msk $0xffff, v9  }
0xf2: {  	v9 =	vld [tilespmem:s25+$0x10];
	_ =	sdelay $0x4  }
0xf3: {  	[tilespmem:v2+s18+$0x0] =	vst.idx.msk $0xffff, v9  }
0xf4: {  	v9 =	vld [tilespmem:s25+$0x20];
	_ =	sdelay $0x4  }
0xf5: {  	[tilespmem:v3+s18+$0x0] =	vst.idx.msk $0xffff, v9  }
0xf6: {  	v9 =	vld [tilespmem:s25+$0x30];
	_ =	sdelay $0x4  }
0xf7: {  	[tilespmem:v4+s18+$0x0] =	vst.idx.msk $0xffff, v9  }
0xf8: {  	v9 =	vld [tilespmem:s25+$0x40];
	_ =	sdelay $0x4  }
0xf9: {  	[tilespmem:v5+s18+$0x0] =	vst.idx.msk $0xffff, v9  }
0xfa: {  	v9 =	vld [tilespmem:s25+$0x50];
	_ =	sdelay $0x4  }
0xfb: {  	[tilespmem:v6+s18+$0x0] =	vst.idx.msk $0xffff, v9  }
0xfc: {  	v9 =	vld [tilespmem:s25+$0x60];
	_ =	sdelay $0x4  }
0xfd: {  	[tilespmem:v7+s18+$0x0] =	vst.idx.msk $0xffff, v9  }
0xfe: {  	v9 =	vld [tilespmem:s25+$0x70];
	_ =	sdelay $0x4  }
0xff: {  	[tilespmem:v8+s18+$0x0] =	vst.idx.msk $0xffff, v9  }
0x100: {  	_ =	swait.ge [sflag:s19], $0x2000  }
0x101: {  	[sflag:s19] =	ssyncset.done $0x0  }
0x102: {  	s30 =	sadd.s32 $0x800, s29;
	[sflag:s19] =	ssyncadd.s32 $0xFFFFE000  }
0x103: {  	[hbm4b:s30+s15] =	stream.strided.scatter [tilespmem:s17], [sflag:$0x5], $0x2000, s11, s15, $0x38;
	[tilespmem:$0xCD00] =	vst v63  }
0x104: {  	s0 =	sadd.s32 $0x808, s29  }
0x105: {  	[hbm4b:s0+s16] =	stream.strided.scatter [tilespmem:s18], [sflag:$0x7], $0x800, s11, s16, $0x38;
	[tilespmem:$0xCD00] =	vst v63  }
0x106: {  	_ =	swait.ge [sflag:s20], $0x2000  }
0x107: {  	[sflag:s20] =	ssyncset.done $0x0  }
0x108: {  	[sflag:s20] =	ssyncadd.s32 $0xFFFFE000  }
0x109: {  	_ =	swait.ge [sflag:s21], $0x800  }
0x10a: {  	[sflag:s21] =	ssyncset.done $0x0  }
0x10b: {  	[sflag:s21] =	ssyncadd.s32 $0xFFFFF800  }
0x10c: {  	_ =	swait.ge [sflag:s22], $0x2000  }
0x10d: {  	[sflag:s22] =	ssyncset.done $0x0  }
0x10e: {  	[sflag:s22] =	ssyncadd.s32 $0xFFFFE000  }
0x10f: {  	_ =	swait.ge [sflag:s23], $0x800  }
0x110: {  	s24 =	sadd.s32 $0x1, s24;
	s31 =	rddreg [dreg:$0x3]  }
0x111: {  	p0 =	sne.s32 s24, s31  }
.Ltmp4:
0x112: {  	_ = 	snop;
	(pc) =	sbr.rel @p0 .LBB2_1-.Ltmp4, $3  }
0x113: {  	_ =	sdelay $0x1  }
0x114: {  	[sflag:s23] =	ssyncset.done $0x0  }
0x115: {  	[sflag:s23] =	ssyncadd.s32 $0xFFFFF800  }
0x116: {  	_ =	sfence.sel $0x180000  }
0x117: {  	[bflag:$0x0] =	sbarrier.arrive $0xFFFF  }
0x118: {  	_ =	strace $0x90000047  }
0x119: {  	s0 =	stileid.u32;
	[bflag:$0x2] =	sbarrier.arrive $0xFFFF  }
0x11a: {  	p0 =	sne.s32 s0, $0x0;
	s0 =	rddreg [dreg:$0x2]  }
0x11b: {  	s0 =	sadd.s32 @!p0 $0x100000, s0  }
0x11c: {  	[sflag:s0] =	ssyncadd.tile.s32 @!p0 $0x1;
	_ =	shalt  }
.Lfunc_end2:
_tile_overlayer_lowered:
.L_overlay_start_2:
0x11d: {  	(tag) =	ssettag $0x2  }
0x11e: {  	s0 =	rddreg [dreg:$0x0];
	s2 =	stileid.u32  }
0x11f: {  	s1 =	rddreg [dreg:$0x1];
	p0 =	sne.s32 s2, $0x0  }
0x120: {  	s3 =	rddreg [dreg:$0x2];
	[bflag:$0x3] =	sbarrier.arrive $0xFFFF;
	s2 =	simm.s32 @!p0 $0x1C08  }
0x121: {  	[timem:s3], [sflag:s2] =	dma.local @!p0 [hbm:s0], s1  }
0x122: {  	s0 =	simm.s32 @!p0 $0x8  }
0x123: {  	_ =	swait.ge @!p0 [sflag:s0], s1  }
0x124: {  	s1 =	ssub.s32 @!p0 $0x0, s1;
	[sflag:s0] =	ssyncset.done @!p0 $0x0  }
0x125: {  	[sflag:s0] =	ssyncadd.s32 @!p0 s1  }
0x126: {  	[bflag:$0x3] =	sbarrier.arrive $0xFFFF  }
0x127: {  	_ =	shalt  }

</sc_bundles>
